<compile_context>
chip_gen: v7x
topology: tpu7x:2x2x1
jax: 0.10.2.dev20260603
libtpu: 0.0.44.dev20260713+nightly
codegen_flags: <defaults>
</compile_context>

<pallas_src>
import jax
import jax.numpy as jnp
from jax import lax
from jax.experimental import pallas as pl
from jax.experimental.pallas import tpu as pltpu
from jax.experimental.pallas import tpu_sc as plsc

N = 10000
D = 128
E = 320000
NC = 2
NS = 16
HALF = N // NC
EPT = E // NS
K = 80
NBLK = EPT // K
ACC_ROWS = 5128
STRIPE = 320
ZR = 80
TRASH = HALF
DEG_ROWS = 5376
DEG_PAD = 5120


def _remap_dst(dst_s, c, s):
  lo = c * HALF
  trash_base = TRASH + s * 8

  def remap(i, carry):
    for j in range(K // 16):
      v = dst_s[i, pl.ds(j * 16, 16)]
      local = v - lo
      owned = (local >= 0) & (local < HALF)
      trash = trash_base + (v & 7)
      dst_s[i, pl.ds(j * 16, 16)] = jnp.where(owned, local, trash)
    return carry
  lax.fori_loop(0, NBLK, remap, 0)


DH = D // NC
ACC2_ROWS = 10240
STRIPE2 = 640
ZR2 = 128


def _make_agg():
  mesh = plsc.VectorSubcoreMesh(core_axis_name="c", subcore_axis_name="s")

  def body(h_hbm, src_hbm, dst_hbm, out_sum, src_s, dst_s, rows0, zbuf,
           acc_sh, sem_a):
    c = lax.axis_index("c")
    s = lax.axis_index("s")

    def zero_zbuf(i, carry):
      for j in range(DH // 16):
        zbuf[i, pl.ds(j * 16, 16)] = jnp.zeros((16,), jnp.float32)
      return carry
    lax.fori_loop(0, ZR2, zero_zbuf, 0)
    for r in range(STRIPE2 // ZR2):
      pltpu.sync_copy(zbuf, acc_sh.at[pl.ds(s * STRIPE2 + r * ZR2, ZR2)])

    pltpu.sync_copy(src_hbm.at[s], src_s)
    pltpu.sync_copy(dst_hbm.at[s], dst_s)

    def remap_src(i, carry):
      for j in range(K // 16):
        v = src_s[i, pl.ds(j * 16, 16)]
        src_s[i, pl.ds(j * 16, 16)] = v * 2 + c
      return carry
    lax.fori_loop(0, NBLK, remap_src, 0)
    plsc.subcore_barrier()

    def step(i, carry):
      pltpu.async_copy(h_hbm.at[src_s.at[i]], rows0, sem_a).wait()
      pltpu.sync_copy(rows0, acc_sh.at[dst_s.at[i]], add=True)
      return carry
    lax.fori_loop(0, NBLK, step, 0)

    plsc.subcore_barrier()
    @pl.when(s < NS - 1)
    def _():
      pltpu.sync_copy(acc_sh.at[pl.ds(s * STRIPE2, STRIPE2)],
                      out_sum.at[c, pl.ds(s * STRIPE2, STRIPE2)])

    @pl.when(s == NS - 1)
    def _():
      last = N - (NS - 1) * STRIPE2
      pltpu.sync_copy(acc_sh.at[pl.ds((NS - 1) * STRIPE2, last)],
                      out_sum.at[c, pl.ds((NS - 1) * STRIPE2, last)])

  return pl.kernel(
      body,
      out_type=jax.ShapeDtypeStruct((NC, N, DH), jnp.float32),
      mesh=mesh,
      compiler_params=pltpu.CompilerParams(use_tc_tiling_on_sc=False),
      scratch_types=[
          pltpu.VMEM((NBLK, K), jnp.int32),
          pltpu.VMEM((NBLK, K), jnp.int32),
          pltpu.VMEM((K, DH), jnp.float32),
          pltpu.VMEM((ZR2, DH), jnp.float32),
          pltpu.VMEM_SHARED((ACC2_ROWS, DH), jnp.float32),
          pltpu.SemaphoreType.DMA,
      ])


def _make_deg():
  mesh = plsc.VectorSubcoreMesh(core_axis_name="c", subcore_axis_name="s")

  def body(dst_hbm, out_deg, dst_s, ones_s, zdeg_s, deg_sh):
    c = lax.axis_index("c")
    s = lax.axis_index("s")
    lo = c * HALF

    def zero_zdeg(i, carry):
      zdeg_s[pl.ds(i * 16, 16)] = jnp.zeros((16,), jnp.float32)
      return carry
    lax.fori_loop(0, DEG_ROWS // 16, zero_zdeg, 0)
    for j in range(K // 16):
      ones_s[pl.ds(j * 16, 16)] = jnp.ones((16,), jnp.float32)

    @pl.when(s == 0)
    def _():
      pltpu.sync_copy(zdeg_s, deg_sh)

    pltpu.sync_copy(dst_hbm.at[s], dst_s)
    _remap_dst(dst_s, c, s)
    plsc.subcore_barrier()

    def step(i, carry):
      pltpu.sync_copy(ones_s, deg_sh.at[dst_s.at[i]], add=True)
      return carry
    lax.fori_loop(0, NBLK, step, 0)

    plsc.subcore_barrier()

    @pl.when(s == 0)
    def _():
      pltpu.sync_copy(deg_sh.at[pl.ds(0, HALF)], zdeg_s.at[pl.ds(0, HALF)])
      pltpu.sync_copy(zdeg_s.at[pl.ds(0, HALF)], out_deg.at[pl.ds(lo, HALF)])

  return pl.kernel(
      body,
      out_type=jax.ShapeDtypeStruct((N,), jnp.float32),
      mesh=mesh,
      scratch_types=[
          pltpu.VMEM((NBLK, K), jnp.int32),
          pltpu.VMEM((K,), jnp.float32),
          pltpu.VMEM((DEG_ROWS,), jnp.float32),
          pltpu.VMEM_SHARED((DEG_ROWS,), jnp.float32),
      ])


_agg = _make_agg()
_deg = _make_deg()


BN = 1000


def _make_layer(do_ln: bool):

  def body(*refs):
    if do_ln:
      sum_ref, deg_ref, h_ref, wl_ref, bl_ref, wr_ref, g_ref, b_ref, o_ref = refs
    else:
      sum_ref, deg_ref, h_ref, wl_ref, bl_ref, wr_ref, o_ref = refs
    ssum = jnp.concatenate([sum_ref[0], sum_ref[1]], axis=1)
    mean = ssum / jnp.clip(deg_ref[...], 1.0, None)
    out = (jnp.dot(mean, wl_ref[...], preferred_element_type=jnp.float32)
           + bl_ref[...]
           + jnp.dot(h_ref[...], wr_ref[...], preferred_element_type=jnp.float32))
    out = jnp.maximum(out, 0.0)
    if do_ln:
      mu = jnp.mean(out, axis=1, keepdims=True)
      var = jnp.mean((out - mu) ** 2, axis=1, keepdims=True)
      out = (out - mu) / jnp.sqrt(var + 1e-5) * g_ref[...] + b_ref[...]
    o_ref[...] = out

  in_specs = [
      pl.BlockSpec((NC, BN, D // NC), lambda i: (0, i, 0)),
      pl.BlockSpec((BN, 1), lambda i: (i, 0)),
      pl.BlockSpec((BN, D), lambda i: (i, 0)),
      pl.BlockSpec((D, D), lambda i: (0, 0)),
      pl.BlockSpec((1, D), lambda i: (0, 0)),
      pl.BlockSpec((D, D), lambda i: (0, 0)),
  ]
  if do_ln:
    in_specs += [pl.BlockSpec((1, D), lambda i: (0, 0))] * 2
  return pl.pallas_call(
      body,
      grid=(N // BN,),
      in_specs=in_specs,
      out_specs=pl.BlockSpec((BN, D), lambda i: (i, 0)),
      out_shape=jax.ShapeDtypeStruct((N, D), jnp.float32),
  )


_layer_plain = _make_layer(False)
_layer_ln = _make_layer(True)


def kernel(x, edge_index, Wl1, bl1, Wr1, Wl2, bl2, Wr2, ln_g, ln_b):
  src = edge_index[0].astype(jnp.int32).reshape(NS, NBLK, K)
  dst = edge_index[1].astype(jnp.int32).reshape(NS, NBLK, K)
  deg2 = _deg(dst).reshape(N, 1)
  sums1 = _agg(x.reshape(2 * N, D // NC), src, dst)
  h1 = _layer_plain(sums1, deg2, x, Wl1.T, bl1.reshape(1, D), Wr1.T)
  sums2 = _agg(h1.reshape(2 * N, D // NC), src, dst)
  return _layer_ln(sums2, deg2, h1, Wl2.T, bl2.reshape(1, D), Wr2.T,
                   ln_g.reshape(1, D), ln_b.reshape(1, D))

# --- scband reference (transcript-rebuilt; emitter-appended) ---
"""Pipeline reference for scband-encoder-gnn-89103391523116 (READ-ONLY COPY).

The authoritative reference and input builder live on the scoring server;
editing this copy changes nothing except your own understanding.
"""

import jax, jax.numpy as jnp
import numpy as np

N_NODES = 10000
N_EDGES = 320000
D = 128


def setup_inputs(seed: int = 0) -> dict:
    key = jax.random.key(seed)
    ks = jax.random.split(key, 10)
    x = jax.random.normal(ks[0], (N_NODES, D), dtype=jnp.float32)
    edge_index = jax.random.randint(ks[1], (2, N_EDGES), 0, N_NODES, dtype=jnp.int64)
    s = 1.0 / jnp.sqrt(D)
    Wl1 = jax.random.uniform(ks[2], (D, D), jnp.float32, -s, s)
    bl1 = jnp.zeros((D,), jnp.float32)
    Wr1 = jax.random.uniform(ks[3], (D, D), jnp.float32, -s, s)
    Wl2 = jax.random.uniform(ks[4], (D, D), jnp.float32, -s, s)
    bl2 = jnp.zeros((D,), jnp.float32)
    Wr2 = jax.random.uniform(ks[5], (D, D), jnp.float32, -s, s)
    ln_g = jnp.ones((D,), jnp.float32)
    ln_b = jnp.zeros((D,), jnp.float32)
    return {"x": x, "edge_index": edge_index, "Wl1": Wl1, "bl1": bl1, "Wr1": Wr1,
            "Wl2": Wl2, "bl2": bl2, "Wr2": Wr2, "ln_g": ln_g, "ln_b": ln_b}


def _sage_conv(h, edge_index, Wl, bl, Wr):
    # PyG SAGEConv (aggr='mean'): out = lin_l(mean_{j->i} h_j) + lin_r(h_i)
    src = edge_index[0]
    dst = edge_index[1]
    msgs = jnp.take(h, src, axis=0)
    summed = jax.ops.segment_sum(msgs, dst, num_segments=N_NODES)
    deg = jax.ops.segment_sum(jnp.ones((msgs.shape[0],), h.dtype), dst, num_segments=N_NODES)
    mean = summed / jnp.clip(deg, 1.0, None)[:, None]
    return mean @ Wl.T + bl + h @ Wr.T


def _layer_norm(h, g, b, eps=1e-5):
    mu = jnp.mean(h, axis=-1, keepdims=True)
    var = jnp.mean((h - mu) ** 2, axis=-1, keepdims=True)
    return (h - mu) / jnp.sqrt(var + eps) * g + b


def reference(x, edge_index, Wl1, bl1, Wr1, Wl2, bl2, Wr2, ln_g, ln_b):
    h = jax.nn.relu(_sage_conv(x, edge_index, Wl1, bl1, Wr1))
    h = jax.nn.relu(_sage_conv(h, edge_index, Wl2, bl2, Wr2))
    return _layer_norm(h, ln_g, ln_b)

if __name__ == "__main__":
    import jax
    _d = setup_inputs()
    print(jax.jit(kernel)(*tuple(_d.values())))

</pallas_src>

<mosaic_0001>
#map = affine_map<(d0, d1) -> (0, 0, 0)>
#map1 = affine_map<(d0, d1) -> (0)>
module attributes {stable_mosaic.version = 14 : i64} {
  func.func @body(%arg0: i32, %arg1: i32, %arg2: memref<16x250x80xi32, #tpu.memory_space<hbm>>, %arg3: memref<10000xf32, #tpu.memory_space<hbm>>, %arg4: memref<250x80xi32, #tpu.memory_space<vmem>>, %arg5: memref<80xf32, #tpu.memory_space<vmem>>, %arg6: memref<5376xf32, #tpu.memory_space<vmem>>, %arg7: memref<5376xf32, #tpu.memory_space<vmem_shared>>) attributes {dimension_semantics = [#tpu.dimension_semantics<core_parallel>, #tpu.dimension_semantics<subcore_parallel>], iteration_bounds = array<i64: 2, 16>, scalar_prefetch = 0 : i64, scratch_operands = 4 : i64, tpu.core_type = #tpu.core_type<sc_vector_subcore>, window_params = [{transform_indices = #map}, {transform_indices = #map1}]} {
    %mul3A = arith.constant 5000 : i32
    %mul3A_0 = arith.muli %arg0, %mul3A : i32
    %scan3A = arith.constant 0 : i32
    %scan3A_1 = arith.constant 0 : i32
    %scan3A_2 = arith.constant 336 : i32
    %scan3A_3 = arith.addi %scan3A_1, %scan3A_2 : i32
    %scan3A_4 = arith.constant 1 : i32
    scf.for %scan3A_59 = %scan3A_1 to %scan3A_3 step %scan3A_4  : i32 {
      %broadcast_in_dim3A_60 = arith.constant 0.000000e+00 : f32
      %broadcast_in_dim3A_61 = vector.broadcast %broadcast_in_dim3A_60 : f32 to vector<16xf32>
      %mul3A_62 = arith.constant 16 : i32
      %mul3A_63 = arith.muli %scan3A_59, %mul3A_62 : i32
      %swap3A_64 = arith.index_cast %mul3A_63 : i32 to index
      %swap3A_65 = tpu.vector_load %arg6[%swap3A_64] {strides = array<i32>} : memref<5376xf32, #tpu.memory_space<vmem>>, vector<16xf32>,
      %swap3A_66 = vector.shape_cast %swap3A_65 : vector<16xf32> to vector<16xf32>
      %swap3A_67 = vector.shape_cast %broadcast_in_dim3A_61 : vector<16xf32> to vector<16xf32>
      tpu.vector_store %arg6[%swap3A_64], %swap3A_67 {strides = array<i32>} : memref<5376xf32, #tpu.memory_space<vmem>>, vector<16xf32>,
    }
    %scan3A_5 = arith.constant 336 : i32
    %broadcast_in_dim3A = arith.constant 1.000000e+00 : f32
    %broadcast_in_dim3A_6 = vector.broadcast %broadcast_in_dim3A : f32 to vector<16xf32>
    %swap3A = arith.constant 0 : index
    %swap3A_7 = tpu.vector_load %arg5[%swap3A] {strides = array<i32>} : memref<80xf32, #tpu.memory_space<vmem>>, vector<16xf32>,
    %swap3A_8 = vector.shape_cast %swap3A_7 : vector<16xf32> to vector<16xf32>
    %swap3A_9 = vector.shape_cast %broadcast_in_dim3A_6 : vector<16xf32> to vector<16xf32>
    tpu.vector_store %arg5[%swap3A], %swap3A_9 {strides = array<i32>} : memref<80xf32, #tpu.memory_space<vmem>>, vector<16xf32>,
    %broadcast_in_dim3A_10 = arith.constant 1.000000e+00 : f32
    %broadcast_in_dim3A_11 = vector.broadcast %broadcast_in_dim3A_10 : f32 to vector<16xf32>
    %swap3A_12 = arith.constant 16 : index
    %swap3A_13 = tpu.vector_load %arg5[%swap3A_12] {strides = array<i32>} : memref<80xf32, #tpu.memory_space<vmem>>, vector<16xf32>,
    %swap3A_14 = vector.shape_cast %swap3A_13 : vector<16xf32> to vector<16xf32>
    %swap3A_15 = vector.shape_cast %broadcast_in_dim3A_11 : vector<16xf32> to vector<16xf32>
    tpu.vector_store %arg5[%swap3A_12], %swap3A_15 {strides = array<i32>} : memref<80xf32, #tpu.memory_space<vmem>>, vector<16xf32>,
    %broadcast_in_dim3A_16 = arith.constant 1.000000e+00 : f32
    %broadcast_in_dim3A_17 = vector.broadcast %broadcast_in_dim3A_16 : f32 to vector<16xf32>
    %swap3A_18 = arith.constant 32 : index
    %swap3A_19 = tpu.vector_load %arg5[%swap3A_18] {strides = array<i32>} : memref<80xf32, #tpu.memory_space<vmem>>, vector<16xf32>,
    %swap3A_20 = vector.shape_cast %swap3A_19 : vector<16xf32> to vector<16xf32>
    %swap3A_21 = vector.shape_cast %broadcast_in_dim3A_17 : vector<16xf32> to vector<16xf32>
    tpu.vector_store %arg5[%swap3A_18], %swap3A_21 {strides = array<i32>} : memref<80xf32, #tpu.memory_space<vmem>>, vector<16xf32>,
    %broadcast_in_dim3A_22 = arith.constant 1.000000e+00 : f32
    %broadcast_in_dim3A_23 = vector.broadcast %broadcast_in_dim3A_22 : f32 to vector<16xf32>
    %swap3A_24 = arith.constant 48 : index
    %swap3A_25 = tpu.vector_load %arg5[%swap3A_24] {strides = array<i32>} : memref<80xf32, #tpu.memory_space<vmem>>, vector<16xf32>,
    %swap3A_26 = vector.shape_cast %swap3A_25 : vector<16xf32> to vector<16xf32>
    %swap3A_27 = vector.shape_cast %broadcast_in_dim3A_23 : vector<16xf32> to vector<16xf32>
    tpu.vector_store %arg5[%swap3A_24], %swap3A_27 {strides = array<i32>} : memref<80xf32, #tpu.memory_space<vmem>>, vector<16xf32>,
    %broadcast_in_dim3A_28 = arith.constant 1.000000e+00 : f32
    %broadcast_in_dim3A_29 = vector.broadcast %broadcast_in_dim3A_28 : f32 to vector<16xf32>
    %swap3A_30 = arith.constant 64 : index
    %swap3A_31 = tpu.vector_load %arg5[%swap3A_30] {strides = array<i32>} : memref<80xf32, #tpu.memory_space<vmem>>, vector<16xf32>,
    %swap3A_32 = vector.shape_cast %swap3A_31 : vector<16xf32> to vector<16xf32>
    %swap3A_33 = vector.shape_cast %broadcast_in_dim3A_29 : vector<16xf32> to vector<16xf32>
    tpu.vector_store %arg5[%swap3A_30], %swap3A_33 {strides = array<i32>} : memref<80xf32, #tpu.memory_space<vmem>>, vector<16xf32>,
    %eq3A = arith.constant 0 : i32
    %eq3A_34 = arith.cmpi eq, %arg1, %eq3A : i32
    %convert_element_type3A = arith.extui %eq3A_34 : i1 to i32
    %cond3A = arith.constant 0 : i32
    %cond3A_35 = arith.cmpi ne, %convert_element_type3A, %cond3A : i32
    scf.if %cond3A_35 {
      "tpu.region"() ({
        %run_scoped3A = tpu.sem_alloc : memref<!tpu.dma_semaphore, #tpu.memory_space<semaphore_mem>>
        tpu.enqueue_dma source(%arg6 : memref<5376xf32, #tpu.memory_space<vmem>>) target(%arg7 : memref<5376xf32, #tpu.memory_space<vmem_shared>>) target_semaphore(%run_scoped3A : memref<!tpu.dma_semaphore, #tpu.memory_space<semaphore_mem>>)
        tpu.wait_dma2 semaphore(%run_scoped3A : memref<!tpu.dma_semaphore, #tpu.memory_space<semaphore_mem>>) src(%arg6 : memref<5376xf32, #tpu.memory_space<vmem>>) dst(%arg7 : memref<5376xf32, #tpu.memory_space<vmem_shared>>)
        tpu.yield
      }) : () -> ()
    } else {
    }
    "tpu.region"() ({
      %run_scoped3A = tpu.sem_alloc : memref<!tpu.dma_semaphore, #tpu.memory_space<semaphore_mem>>
      %dma_start3A = arith.constant 0 : i32
      %dma_start3A_59 = arith.constant 0 : i32
      %dma_start3A_60 = tpu.memref_slice %arg2[%arg1, %dma_start3A, %dma_start3A_59] : memref<16x250x80xi32, #tpu.memory_space<hbm>> -> memref<1x250x80xi32, #tpu.memory_space<hbm>>
      %dma_start3A_61 = tpu.memref_squeeze %dma_start3A_60 : memref<1x250x80xi32, #tpu.memory_space<hbm>> -> memref<250x80xi32, #tpu.memory_space<hbm>>
      %dma_start3A_62 = arith.constant 0 : i32
      %dma_start3A_63 = arith.constant 0 : i32
      %dma_start3A_64 = tpu.memref_slice %arg2[%arg1, %dma_start3A_62, %dma_start3A_63] : memref<16x250x80xi32, #tpu.memory_space<hbm>> -> memref<1x250x80xi32, #tpu.memory_space<hbm>>
      %dma_start3A_65 = tpu.memref_squeeze %dma_start3A_64 : memref<1x250x80xi32, #tpu.memory_space<hbm>> -> memref<250x80xi32, #tpu.memory_space<hbm>>
      tpu.enqueue_dma source(%dma_start3A_65 : memref<250x80xi32, #tpu.memory_space<hbm>>) target(%arg4 : memref<250x80xi32, #tpu.memory_space<vmem>>) target_semaphore(%run_scoped3A : memref<!tpu.dma_semaphore, #tpu.memory_space<semaphore_mem>>)
      %dma_wait3A = arith.constant 0 : i32
      %dma_wait3A_66 = arith.constant 0 : i32
      %dma_wait3A_67 = tpu.memref_slice %arg2[%arg1, %dma_wait3A, %dma_wait3A_66] : memref<16x250x80xi32, #tpu.memory_space<hbm>> -> memref<1x250x80xi32, #tpu.memory_space<hbm>>
      %dma_wait3A_68 = tpu.memref_squeeze %dma_wait3A_67 : memref<1x250x80xi32, #tpu.memory_space<hbm>> -> memref<250x80xi32, #tpu.memory_space<hbm>>
      %dma_wait3A_69 = arith.constant 0 : i32
      %dma_wait3A_70 = arith.constant 0 : i32
      %dma_wait3A_71 = tpu.memref_slice %arg2[%arg1, %dma_wait3A_69, %dma_wait3A_70] : memref<16x250x80xi32, #tpu.memory_space<hbm>> -> memref<1x250x80xi32, #tpu.memory_space<hbm>>
      %dma_wait3A_72 = tpu.memref_squeeze %dma_wait3A_71 : memref<1x250x80xi32, #tpu.memory_space<hbm>> -> memref<250x80xi32, #tpu.memory_space<hbm>>
      tpu.wait_dma2 semaphore(%run_scoped3A : memref<!tpu.dma_semaphore, #tpu.memory_space<semaphore_mem>>) src(%dma_wait3A_72 : memref<250x80xi32, #tpu.memory_space<hbm>>) dst(%arg4 : memref<250x80xi32, #tpu.memory_space<vmem>>)
      tpu.yield
    }) : () -> ()
    %mul3A_36 = arith.constant 5000 : i32
    %mul3A_37 = arith.muli %arg0, %mul3A_36 : i32
    %mul3A_38 = arith.constant 8 : i32
    %mul3A_39 = arith.muli %arg1, %mul3A_38 : i32
    %add3A = arith.constant 5000 : i32
    %add3A_40 = arith.addi %add3A, %mul3A_39 : i32
    %scan3A_41 = arith.constant 0 : i32
    %scan3A_42 = arith.constant 0 : i32
    %scan3A_43 = arith.constant 250 : i32
    %scan3A_44 = arith.addi %scan3A_42, %scan3A_43 : i32
    %scan3A_45 = arith.constant 1 : i32
    scf.for %scan3A_59 = %scan3A_42 to %scan3A_44 step %scan3A_45  : i32 {
      %get3A = arith.index_cast %scan3A_59 : i32 to index
      %get3A_60 = arith.constant 0 : index
      %get3A_61 = tpu.vector_load %arg4[%get3A, %get3A_60] {strides = array<i32>} : memref<250x80xi32, #tpu.memory_space<vmem>>, vector<1x16xi32>,
      %get3A_62 = vector.shape_cast %get3A_61 : vector<1x16xi32> to vector<16xi32>
      %sub3A = vector.broadcast %mul3A_37 : i32 to vector<16xi32>
      %sub3A_63 = arith.subi %get3A_62, %sub3A : vector<16xi32>
      %ge3A = arith.constant 0 : i32
      %ge3A_64 = vector.broadcast %ge3A : i32 to vector<16xi32>
      %ge3A_65 = arith.cmpi sge, %sub3A_63, %ge3A_64 : vector<16xi32>
      %lt3A = arith.constant 5000 : i32
      %lt3A_66 = vector.broadcast %lt3A : i32 to vector<16xi32>
      %lt3A_67 = arith.cmpi slt, %sub3A_63, %lt3A_66 : vector<16xi32>
      %and3A = arith.andi %ge3A_65, %lt3A_67 : vector<16xi1>
      %and3A_68 = arith.constant 7 : i32
      %and3A_69 = vector.broadcast %and3A_68 : i32 to vector<16xi32>
      %and3A_70 = arith.andi %get3A_62, %and3A_69 : vector<16xi32>
      %add3A_71 = vector.broadcast %add3A_40 : i32 to vector<16xi32>
      %add3A_72 = arith.addi %add3A_71, %and3A_70 : vector<16xi32>
      %select_n3A = arith.select %and3A, %sub3A_63, %add3A_72 : vector<16xi1>, vector<16xi32>
      %swap3A_73 = arith.index_cast %scan3A_59 : i32 to index
      %swap3A_74 = arith.constant 0 : index
      %swap3A_75 = tpu.vector_load %arg4[%swap3A_73, %swap3A_74] {strides = array<i32>} : memref<250x80xi32, #tpu.memory_space<vmem>>, vector<1x16xi32>,
      %swap3A_76 = vector.shape_cast %swap3A_75 : vector<1x16xi32> to vector<16xi32>
      %swap3A_77 = vector.shape_cast %select_n3A : vector<16xi32> to vector<1x16xi32>
      tpu.vector_store %arg4[%swap3A_73, %swap3A_74], %swap3A_77 {strides = array<i32>} : memref<250x80xi32, #tpu.memory_space<vmem>>, vector<1x16xi32>,
      %get3A_78 = arith.index_cast %scan3A_59 : i32 to index
      %get3A_79 = arith.constant 16 : index
      %get3A_80 = tpu.vector_load %arg4[%get3A_78, %get3A_79] {strides = array<i32>} : memref<250x80xi32, #tpu.memory_space<vmem>>, vector<1x16xi32>,
      %get3A_81 = vector.shape_cast %get3A_80 : vector<1x16xi32> to vector<16xi32>
      %sub3A_82 = vector.broadcast %mul3A_37 : i32 to vector<16xi32>
      %sub3A_83 = arith.subi %get3A_81, %sub3A_82 : vector<16xi32>
      %ge3A_84 = arith.constant 0 : i32
      %ge3A_85 = vector.broadcast %ge3A_84 : i32 to vector<16xi32>
      %ge3A_86 = arith.cmpi sge, %sub3A_83, %ge3A_85 : vector<16xi32>
      %lt3A_87 = arith.constant 5000 : i32
      %lt3A_88 = vector.broadcast %lt3A_87 : i32 to vector<16xi32>
      %lt3A_89 = arith.cmpi slt, %sub3A_83, %lt3A_88 : vector<16xi32>
      %and3A_90 = arith.andi %ge3A_86, %lt3A_89 : vector<16xi1>
      %and3A_91 = arith.constant 7 : i32
      %and3A_92 = vector.broadcast %and3A_91 : i32 to vector<16xi32>
      %and3A_93 = arith.andi %get3A_81, %and3A_92 : vector<16xi32>
      %add3A_94 = vector.broadcast %add3A_40 : i32 to vector<16xi32>
      %add3A_95 = arith.addi %add3A_94, %and3A_93 : vector<16xi32>
      %select_n3A_96 = arith.select %and3A_90, %sub3A_83, %add3A_95 : vector<16xi1>, vector<16xi32>
      %swap3A_97 = arith.index_cast %scan3A_59 : i32 to index
      %swap3A_98 = arith.constant 16 : index
      %swap3A_99 = tpu.vector_load %arg4[%swap3A_97, %swap3A_98] {strides = array<i32>} : memref<250x80xi32, #tpu.memory_space<vmem>>, vector<1x16xi32>,
      %swap3A_100 = vector.shape_cast %swap3A_99 : vector<1x16xi32> to vector<16xi32>
      %swap3A_101 = vector.shape_cast %select_n3A_96 : vector<16xi32> to vector<1x16xi32>
      tpu.vector_store %arg4[%swap3A_97, %swap3A_98], %swap3A_101 {strides = array<i32>} : memref<250x80xi32, #tpu.memory_space<vmem>>, vector<1x16xi32>,
      %get3A_102 = arith.index_cast %scan3A_59 : i32 to index
      %get3A_103 = arith.constant 32 : index
      %get3A_104 = tpu.vector_load %arg4[%get3A_102, %get3A_103] {strides = array<i32>} : memref<250x80xi32, #tpu.memory_space<vmem>>, vector<1x16xi32>,
      %get3A_105 = vector.shape_cast %get3A_104 : vector<1x16xi32> to vector<16xi32>
      %sub3A_106 = vector.broadcast %mul3A_37 : i32 to vector<16xi32>
      %sub3A_107 = arith.subi %get3A_105, %sub3A_106 : vector<16xi32>
      %ge3A_108 = arith.constant 0 : i32
      %ge3A_109 = vector.broadcast %ge3A_108 : i32 to vector<16xi32>
      %ge3A_110 = arith.cmpi sge, %sub3A_107, %ge3A_109 : vector<16xi32>
      %lt3A_111 = arith.constant 5000 : i32
      %lt3A_112 = vector.broadcast %lt3A_111 : i32 to vector<16xi32>
      %lt3A_113 = arith.cmpi slt, %sub3A_107, %lt3A_112 : vector<16xi32>
      %and3A_114 = arith.andi %ge3A_110, %lt3A_113 : vector<16xi1>
      %and3A_115 = arith.constant 7 : i32
      %and3A_116 = vector.broadcast %and3A_115 : i32 to vector<16xi32>
      %and3A_117 = arith.andi %get3A_105, %and3A_116 : vector<16xi32>
      %add3A_118 = vector.broadcast %add3A_40 : i32 to vector<16xi32>
      %add3A_119 = arith.addi %add3A_118, %and3A_117 : vector<16xi32>
      %select_n3A_120 = arith.select %and3A_114, %sub3A_107, %add3A_119 : vector<16xi1>, vector<16xi32>
      %swap3A_121 = arith.index_cast %scan3A_59 : i32 to index
      %swap3A_122 = arith.constant 32 : index
      %swap3A_123 = tpu.vector_load %arg4[%swap3A_121, %swap3A_122] {strides = array<i32>} : memref<250x80xi32, #tpu.memory_space<vmem>>, vector<1x16xi32>,
      %swap3A_124 = vector.shape_cast %swap3A_123 : vector<1x16xi32> to vector<16xi32>
      %swap3A_125 = vector.shape_cast %select_n3A_120 : vector<16xi32> to vector<1x16xi32>
      tpu.vector_store %arg4[%swap3A_121, %swap3A_122], %swap3A_125 {strides = array<i32>} : memref<250x80xi32, #tpu.memory_space<vmem>>, vector<1x16xi32>,
      %get3A_126 = arith.index_cast %scan3A_59 : i32 to index
      %get3A_127 = arith.constant 48 : index
      %get3A_128 = tpu.vector_load %arg4[%get3A_126, %get3A_127] {strides = array<i32>} : memref<250x80xi32, #tpu.memory_space<vmem>>, vector<1x16xi32>,
      %get3A_129 = vector.shape_cast %get3A_128 : vector<1x16xi32> to vector<16xi32>
      %sub3A_130 = vector.broadcast %mul3A_37 : i32 to vector<16xi32>
      %sub3A_131 = arith.subi %get3A_129, %sub3A_130 : vector<16xi32>
      %ge3A_132 = arith.constant 0 : i32
      %ge3A_133 = vector.broadcast %ge3A_132 : i32 to vector<16xi32>
      %ge3A_134 = arith.cmpi sge, %sub3A_131, %ge3A_133 : vector<16xi32>
      %lt3A_135 = arith.constant 5000 : i32
      %lt3A_136 = vector.broadcast %lt3A_135 : i32 to vector<16xi32>
      %lt3A_137 = arith.cmpi slt, %sub3A_131, %lt3A_136 : vector<16xi32>
      %and3A_138 = arith.andi %ge3A_134, %lt3A_137 : vector<16xi1>
      %and3A_139 = arith.constant 7 : i32
      %and3A_140 = vector.broadcast %and3A_139 : i32 to vector<16xi32>
      %and3A_141 = arith.andi %get3A_129, %and3A_140 : vector<16xi32>
      %add3A_142 = vector.broadcast %add3A_40 : i32 to vector<16xi32>
      %add3A_143 = arith.addi %add3A_142, %and3A_141 : vector<16xi32>
      %select_n3A_144 = arith.select %and3A_138, %sub3A_131, %add3A_143 : vector<16xi1>, vector<16xi32>
      %swap3A_145 = arith.index_cast %scan3A_59 : i32 to index
      %swap3A_146 = arith.constant 48 : index
      %swap3A_147 = tpu.vector_load %arg4[%swap3A_145, %swap3A_146] {strides = array<i32>} : memref<250x80xi32, #tpu.memory_space<vmem>>, vector<1x16xi32>,
      %swap3A_148 = vector.shape_cast %swap3A_147 : vector<1x16xi32> to vector<16xi32>
      %swap3A_149 = vector.shape_cast %select_n3A_144 : vector<16xi32> to vector<1x16xi32>
      tpu.vector_store %arg4[%swap3A_145, %swap3A_146], %swap3A_149 {strides = array<i32>} : memref<250x80xi32, #tpu.memory_space<vmem>>, vector<1x16xi32>,
      %get3A_150 = arith.index_cast %scan3A_59 : i32 to index
      %get3A_151 = arith.constant 64 : index
      %get3A_152 = tpu.vector_load %arg4[%get3A_150, %get3A_151] {strides = array<i32>} : memref<250x80xi32, #tpu.memory_space<vmem>>, vector<1x16xi32>,
      %get3A_153 = vector.shape_cast %get3A_152 : vector<1x16xi32> to vector<16xi32>
      %sub3A_154 = vector.broadcast %mul3A_37 : i32 to vector<16xi32>
      %sub3A_155 = arith.subi %get3A_153, %sub3A_154 : vector<16xi32>
      %ge3A_156 = arith.constant 0 : i32
      %ge3A_157 = vector.broadcast %ge3A_156 : i32 to vector<16xi32>
      %ge3A_158 = arith.cmpi sge, %sub3A_155, %ge3A_157 : vector<16xi32>
      %lt3A_159 = arith.constant 5000 : i32
      %lt3A_160 = vector.broadcast %lt3A_159 : i32 to vector<16xi32>
      %lt3A_161 = arith.cmpi slt, %sub3A_155, %lt3A_160 : vector<16xi32>
      %and3A_162 = arith.andi %ge3A_158, %lt3A_161 : vector<16xi1>
      %and3A_163 = arith.constant 7 : i32
      %and3A_164 = vector.broadcast %and3A_163 : i32 to vector<16xi32>
      %and3A_165 = arith.andi %get3A_153, %and3A_164 : vector<16xi32>
      %add3A_166 = vector.broadcast %add3A_40 : i32 to vector<16xi32>
      %add3A_167 = arith.addi %add3A_166, %and3A_165 : vector<16xi32>
      %select_n3A_168 = arith.select %and3A_162, %sub3A_155, %add3A_167 : vector<16xi1>, vector<16xi32>
      %swap3A_169 = arith.index_cast %scan3A_59 : i32 to index
      %swap3A_170 = arith.constant 64 : index
      %swap3A_171 = tpu.vector_load %arg4[%swap3A_169, %swap3A_170] {strides = array<i32>} : memref<250x80xi32, #tpu.memory_space<vmem>>, vector<1x16xi32>,
      %swap3A_172 = vector.shape_cast %swap3A_171 : vector<1x16xi32> to vector<16xi32>
      %swap3A_173 = vector.shape_cast %select_n3A_168 : vector<16xi32> to vector<1x16xi32>
      tpu.vector_store %arg4[%swap3A_169, %swap3A_170], %swap3A_173 {strides = array<i32>} : memref<250x80xi32, #tpu.memory_space<vmem>>, vector<1x16xi32>,
    }
    %scan3A_46 = arith.constant 250 : i32
    %barrier3A = arith.constant 0 : index
    tpu.barrier barrier_id(%barrier3A)
    %scan3A_47 = arith.constant 0 : i32
    %scan3A_48 = arith.constant 0 : i32
    %scan3A_49 = arith.constant 250 : i32
    %scan3A_50 = arith.addi %scan3A_48, %scan3A_49 : i32
    %scan3A_51 = arith.constant 1 : i32
    scf.for %scan3A_59 = %scan3A_48 to %scan3A_50 step %scan3A_51  : i32 {
      "tpu.region"() ({
        %run_scoped3A = tpu.sem_alloc : memref<!tpu.dma_semaphore, #tpu.memory_space<semaphore_mem>>
        %dma_start3A = arith.constant 0 : i32
        %dma_start3A_60 = tpu.memref_slice %arg4[%scan3A_59, %dma_start3A] : memref<250x80xi32, #tpu.memory_space<vmem>> -> memref<1x80xi32, #tpu.memory_space<vmem>>
        %dma_start3A_61 = tpu.memref_squeeze %dma_start3A_60 : memref<1x80xi32, #tpu.memory_space<vmem>> -> memref<80xi32, #tpu.memory_space<vmem>>
        %dma_start3A_62 = arith.constant 0 : i32
        %dma_start3A_63 = tpu.memref_slice %arg7[%dma_start3A_62] : memref<5376xf32, #tpu.memory_space<vmem_shared>> -> memref<5376xf32, #tpu.memory_space<vmem_shared>>
        tpu.enqueue_indirect_dma source(%arg5 : memref<80xf32, #tpu.memory_space<vmem>>) target(%dma_start3A_63 : memref<5376xf32, #tpu.memory_space<vmem_shared>>) offsets(%dma_start3A_61 : memref<80xi32, #tpu.memory_space<vmem>>) semaphore(%run_scoped3A : memref<!tpu.dma_semaphore, #tpu.memory_space<semaphore_mem>>) {add = true}
        %dma_wait3A = arith.constant 0 : i32
        %dma_wait3A_64 = tpu.memref_slice %arg4[%scan3A_59, %dma_wait3A] : memref<250x80xi32, #tpu.memory_space<vmem>> -> memref<1x80xi32, #tpu.memory_space<vmem>>
        %dma_wait3A_65 = tpu.memref_squeeze %dma_wait3A_64 : memref<1x80xi32, #tpu.memory_space<vmem>> -> memref<80xi32, #tpu.memory_space<vmem>>
        %dma_wait3A_66 = arith.constant 0 : i32
        %dma_wait3A_67 = tpu.memref_slice %arg7[%dma_wait3A_66] : memref<5376xf32, #tpu.memory_space<vmem_shared>> -> memref<5376xf32, #tpu.memory_space<vmem_shared>>
        tpu.wait_indirect_dma semaphore(%run_scoped3A : memref<!tpu.dma_semaphore, #tpu.memory_space<semaphore_mem>>) src(%arg5 : memref<80xf32, #tpu.memory_space<vmem>>) dst(%dma_wait3A_67 : memref<5376xf32, #tpu.memory_space<vmem_shared>>)
        tpu.yield
      }) : () -> ()
    }
    %scan3A_52 = arith.constant 250 : i32
    %barrier3A_53 = arith.constant 0 : index
    tpu.barrier barrier_id(%barrier3A_53)
    %eq3A_54 = arith.constant 0 : i32
    %eq3A_55 = arith.cmpi eq, %arg1, %eq3A_54 : i32
    %convert_element_type3A_56 = arith.extui %eq3A_55 : i1 to i32
    %cond3A_57 = arith.constant 0 : i32
    %cond3A_58 = arith.cmpi ne, %convert_element_type3A_56, %cond3A_57 : i32
    scf.if %cond3A_58 {
      "tpu.region"() ({
        %run_scoped3A = tpu.sem_alloc : memref<!tpu.dma_semaphore, #tpu.memory_space<semaphore_mem>>
        %dma_start3A = arith.constant 0 : i32
        %dma_start3A_59 = tpu.memref_slice %arg6[%dma_start3A] : memref<5376xf32, #tpu.memory_space<vmem>> -> memref<5000xf32, #tpu.memory_space<vmem>>
        %dma_start3A_60 = arith.constant 0 : i32
        %dma_start3A_61 = tpu.memref_slice %arg7[%dma_start3A_60] : memref<5376xf32, #tpu.memory_space<vmem_shared>> -> memref<5000xf32, #tpu.memory_space<vmem_shared>>
        %dma_start3A_62 = arith.constant 0 : i32
        %dma_start3A_63 = tpu.memref_slice %arg6[%dma_start3A_62] : memref<5376xf32, #tpu.memory_space<vmem>> -> memref<5000xf32, #tpu.memory_space<vmem>>
        %dma_start3A_64 = arith.constant 0 : i32
        %dma_start3A_65 = tpu.memref_slice %arg7[%dma_start3A_64] : memref<5376xf32, #tpu.memory_space<vmem_shared>> -> memref<5000xf32, #tpu.memory_space<vmem_shared>>
        tpu.enqueue_dma source(%dma_start3A_65 : memref<5000xf32, #tpu.memory_space<vmem_shared>>) target(%dma_start3A_63 : memref<5000xf32, #tpu.memory_space<vmem>>) target_semaphore(%run_scoped3A : memref<!tpu.dma_semaphore, #tpu.memory_space<semaphore_mem>>)
        %dma_wait3A = arith.constant 0 : i32
        %dma_wait3A_66 = tpu.memref_slice %arg6[%dma_wait3A] : memref<5376xf32, #tpu.memory_space<vmem>> -> memref<5000xf32, #tpu.memory_space<vmem>>
        %dma_wait3A_67 = arith.constant 0 : i32
        %dma_wait3A_68 = tpu.memref_slice %arg7[%dma_wait3A_67] : memref<5376xf32, #tpu.memory_space<vmem_shared>> -> memref<5000xf32, #tpu.memory_space<vmem_shared>>
        %dma_wait3A_69 = arith.constant 0 : i32
        %dma_wait3A_70 = tpu.memref_slice %arg6[%dma_wait3A_69] : memref<5376xf32, #tpu.memory_space<vmem>> -> memref<5000xf32, #tpu.memory_space<vmem>>
        %dma_wait3A_71 = arith.constant 0 : i32
        %dma_wait3A_72 = tpu.memref_slice %arg7[%dma_wait3A_71] : memref<5376xf32, #tpu.memory_space<vmem_shared>> -> memref<5000xf32, #tpu.memory_space<vmem_shared>>
        tpu.wait_dma2 semaphore(%run_scoped3A : memref<!tpu.dma_semaphore, #tpu.memory_space<semaphore_mem>>) src(%dma_wait3A_72 : memref<5000xf32, #tpu.memory_space<vmem_shared>>) dst(%dma_wait3A_70 : memref<5000xf32, #tpu.memory_space<vmem>>)
        tpu.yield
      }) : () -> ()
      "tpu.region"() ({
        %run_scoped3A = tpu.sem_alloc : memref<!tpu.dma_semaphore, #tpu.memory_space<semaphore_mem>>
        %dma_start3A = arith.constant 0 : i32
        %dma_start3A_59 = tpu.memref_slice %arg6[%dma_start3A] : memref<5376xf32, #tpu.memory_space<vmem>> -> memref<5000xf32, #tpu.memory_space<vmem>>
        %dma_start3A_60 = tpu.memref_slice %arg3[%mul3A_0] : memref<10000xf32, #tpu.memory_space<hbm>> -> memref<5000xf32, #tpu.memory_space<hbm>>
        %dma_start3A_61 = tpu.memref_slice %arg3[%mul3A_0] : memref<10000xf32, #tpu.memory_space<hbm>> -> memref<5000xf32, #tpu.memory_space<hbm>>
        %dma_start3A_62 = arith.constant 0 : i32
        %dma_start3A_63 = tpu.memref_slice %arg6[%dma_start3A_62] : memref<5376xf32, #tpu.memory_space<vmem>> -> memref<5000xf32, #tpu.memory_space<vmem>>
        tpu.enqueue_dma source(%dma_start3A_63 : memref<5000xf32, #tpu.memory_space<vmem>>) target(%dma_start3A_61 : memref<5000xf32, #tpu.memory_space<hbm>>) target_semaphore(%run_scoped3A : memref<!tpu.dma_semaphore, #tpu.memory_space<semaphore_mem>>)
        %dma_wait3A = arith.constant 0 : i32
        %dma_wait3A_64 = tpu.memref_slice %arg6[%dma_wait3A] : memref<5376xf32, #tpu.memory_space<vmem>> -> memref<5000xf32, #tpu.memory_space<vmem>>
        %dma_wait3A_65 = tpu.memref_slice %arg3[%mul3A_0] : memref<10000xf32, #tpu.memory_space<hbm>> -> memref<5000xf32, #tpu.memory_space<hbm>>
        %dma_wait3A_66 = tpu.memref_slice %arg3[%mul3A_0] : memref<10000xf32, #tpu.memory_space<hbm>> -> memref<5000xf32, #tpu.memory_space<hbm>>
        %dma_wait3A_67 = arith.constant 0 : i32
        %dma_wait3A_68 = tpu.memref_slice %arg6[%dma_wait3A_67] : memref<5376xf32, #tpu.memory_space<vmem>> -> memref<5000xf32, #tpu.memory_space<vmem>>
        tpu.wait_dma2 semaphore(%run_scoped3A : memref<!tpu.dma_semaphore, #tpu.memory_space<semaphore_mem>>) src(%dma_wait3A_68 : memref<5000xf32, #tpu.memory_space<vmem>>) dst(%dma_wait3A_66 : memref<5000xf32, #tpu.memory_space<hbm>>)
        tpu.yield
      }) : () -> ()
    } else {
    }
    return
  }
}

#map = affine_map<(d0, d1) -> (0, 0)>
#map1 = affine_map<(d0, d1) -> (0, 0, 0)>
module attributes {stable_mosaic.version = 14 : i64} {
  func.func @body(%arg0: i32, %arg1: i32, %arg2: memref<20000x64xf32, #tpu.memory_space<hbm>>, %arg3: memref<16x250x80xi32, #tpu.memory_space<hbm>>, %arg4: memref<16x250x80xi32, #tpu.memory_space<hbm>>, %arg5: memref<2x10000x64xf32, #tpu.memory_space<hbm>>, %arg6: memref<250x80xi32, #tpu.memory_space<vmem>>, %arg7: memref<250x80xi32, #tpu.memory_space<vmem>>, %arg8: memref<80x64xf32, #tpu.memory_space<vmem>>, %arg9: memref<128x64xf32, #tpu.memory_space<vmem>>, %arg10: memref<10240x64xf32, #tpu.memory_space<vmem_shared>>, %arg11: memref<!tpu.dma_semaphore, #tpu.memory_space<semaphore_mem>>) attributes {dimension_semantics = [#tpu.dimension_semantics<core_parallel>, #tpu.dimension_semantics<subcore_parallel>], iteration_bounds = array<i64: 2, 16>, scalar_prefetch = 0 : i64, scratch_operands = 6 : i64, tpu.core_type = #tpu.core_type<sc_vector_subcore>, window_params = [{transform_indices = #map}, {transform_indices = #map1}, {transform_indices = #map1}, {transform_indices = #map1}]} {
    %scan3A = arith.constant 0 : i32
    %scan3A_0 = arith.constant 0 : i32
    %scan3A_1 = arith.constant 128 : i32
    %scan3A_2 = arith.addi %scan3A_0, %scan3A_1 : i32
    %scan3A_3 = arith.constant 1 : i32
    scf.for %scan3A_42 = %scan3A_0 to %scan3A_2 step %scan3A_3  : i32 {
      %broadcast_in_dim3A = arith.constant 0.000000e+00 : f32
      %broadcast_in_dim3A_43 = vector.broadcast %broadcast_in_dim3A : f32 to vector<16xf32>
      %swap3A = arith.index_cast %scan3A_42 : i32 to index
      %swap3A_44 = arith.constant 0 : index
      %swap3A_45 = tpu.vector_load %arg9[%swap3A, %swap3A_44] {strides = array<i32>} : memref<128x64xf32, #tpu.memory_space<vmem>>, vector<1x16xf32>,
      %swap3A_46 = vector.shape_cast %swap3A_45 : vector<1x16xf32> to vector<16xf32>
      %swap3A_47 = vector.shape_cast %broadcast_in_dim3A_43 : vector<16xf32> to vector<1x16xf32>
      tpu.vector_store %arg9[%swap3A, %swap3A_44], %swap3A_47 {strides = array<i32>} : memref<128x64xf32, #tpu.memory_space<vmem>>, vector<1x16xf32>,
      %broadcast_in_dim3A_48 = arith.constant 0.000000e+00 : f32
      %broadcast_in_dim3A_49 = vector.broadcast %broadcast_in_dim3A_48 : f32 to vector<16xf32>
      %swap3A_50 = arith.index_cast %scan3A_42 : i32 to index
      %swap3A_51 = arith.constant 16 : index
      %swap3A_52 = tpu.vector_load %arg9[%swap3A_50, %swap3A_51] {strides = array<i32>} : memref<128x64xf32, #tpu.memory_space<vmem>>, vector<1x16xf32>,
      %swap3A_53 = vector.shape_cast %swap3A_52 : vector<1x16xf32> to vector<16xf32>
      %swap3A_54 = vector.shape_cast %broadcast_in_dim3A_49 : vector<16xf32> to vector<1x16xf32>
      tpu.vector_store %arg9[%swap3A_50, %swap3A_51], %swap3A_54 {strides = array<i32>} : memref<128x64xf32, #tpu.memory_space<vmem>>, vector<1x16xf32>,
      %broadcast_in_dim3A_55 = arith.constant 0.000000e+00 : f32
      %broadcast_in_dim3A_56 = vector.broadcast %broadcast_in_dim3A_55 : f32 to vector<16xf32>
      %swap3A_57 = arith.index_cast %scan3A_42 : i32 to index
      %swap3A_58 = arith.constant 32 : index
      %swap3A_59 = tpu.vector_load %arg9[%swap3A_57, %swap3A_58] {strides = array<i32>} : memref<128x64xf32, #tpu.memory_space<vmem>>, vector<1x16xf32>,
      %swap3A_60 = vector.shape_cast %swap3A_59 : vector<1x16xf32> to vector<16xf32>
      %swap3A_61 = vector.shape_cast %broadcast_in_dim3A_56 : vector<16xf32> to vector<1x16xf32>
      tpu.vector_store %arg9[%swap3A_57, %swap3A_58], %swap3A_61 {strides = array<i32>} : memref<128x64xf32, #tpu.memory_space<vmem>>, vector<1x16xf32>,
      %broadcast_in_dim3A_62 = arith.constant 0.000000e+00 : f32
      %broadcast_in_dim3A_63 = vector.broadcast %broadcast_in_dim3A_62 : f32 to vector<16xf32>
      %swap3A_64 = arith.index_cast %scan3A_42 : i32 to index
      %swap3A_65 = arith.constant 48 : index
      %swap3A_66 = tpu.vector_load %arg9[%swap3A_64, %swap3A_65] {strides = array<i32>} : memref<128x64xf32, #tpu.memory_space<vmem>>, vector<1x16xf32>,
      %swap3A_67 = vector.shape_cast %swap3A_66 : vector<1x16xf32> to vector<16xf32>
      %swap3A_68 = vector.shape_cast %broadcast_in_dim3A_63 : vector<16xf32> to vector<1x16xf32>
      tpu.vector_store %arg9[%swap3A_64, %swap3A_65], %swap3A_68 {strides = array<i32>} : memref<128x64xf32, #tpu.memory_space<vmem>>, vector<1x16xf32>,
    }
    %scan3A_4 = arith.constant 128 : i32
    %mul3A = arith.constant 640 : i32
    %mul3A_5 = arith.muli %arg1, %mul3A : i32
    %add3A = arith.constant 0 : i32
    %add3A_6 = arith.addi %mul3A_5, %add3A : i32
    "tpu.region"() ({
      %run_scoped3A = tpu.sem_alloc : memref<!tpu.dma_semaphore, #tpu.memory_space<semaphore_mem>>
      %dma_start3A = arith.constant 0 : i32
      %dma_start3A_42 = tpu.memref_slice %arg10[%add3A_6, %dma_start3A] : memref<10240x64xf32, #tpu.memory_space<vmem_shared>> -> memref<128x64xf32, #tpu.memory_space<vmem_shared>>
      %dma_start3A_43 = arith.constant 0 : i32
      %dma_start3A_44 = tpu.memref_slice %arg10[%add3A_6, %dma_start3A_43] : memref<10240x64xf32, #tpu.memory_space<vmem_shared>> -> memref<128x64xf32, #tpu.memory_space<vmem_shared>>
      tpu.enqueue_dma source(%arg9 : memref<128x64xf32, #tpu.memory_space<vmem>>) target(%dma_start3A_44 : memref<128x64xf32, #tpu.memory_space<vmem_shared>>) target_semaphore(%run_scoped3A : memref<!tpu.dma_semaphore, #tpu.memory_space<semaphore_mem>>)
      %dma_wait3A = arith.constant 0 : i32
      %dma_wait3A_45 = tpu.memref_slice %arg10[%add3A_6, %dma_wait3A] : memref<10240x64xf32, #tpu.memory_space<vmem_shared>> -> memref<128x64xf32, #tpu.memory_space<vmem_shared>>
      %dma_wait3A_46 = arith.constant 0 : i32
      %dma_wait3A_47 = tpu.memref_slice %arg10[%add3A_6, %dma_wait3A_46] : memref<10240x64xf32, #tpu.memory_space<vmem_shared>> -> memref<128x64xf32, #tpu.memory_space<vmem_shared>>
      tpu.wait_dma2 semaphore(%run_scoped3A : memref<!tpu.dma_semaphore, #tpu.memory_space<semaphore_mem>>) src(%arg9 : memref<128x64xf32, #tpu.memory_space<vmem>>) dst(%dma_wait3A_47 : memref<128x64xf32, #tpu.memory_space<vmem_shared>>)
      tpu.yield
    }) : () -> ()
    %mul3A_7 = arith.constant 640 : i32
    %mul3A_8 = arith.muli %arg1, %mul3A_7 : i32
    %add3A_9 = arith.constant 128 : i32
    %add3A_10 = arith.addi %mul3A_8, %add3A_9 : i32
    "tpu.region"() ({
      %run_scoped3A = tpu.sem_alloc : memref<!tpu.dma_semaphore, #tpu.memory_space<semaphore_mem>>
      %dma_start3A = arith.constant 0 : i32
      %dma_start3A_42 = tpu.memref_slice %arg10[%add3A_10, %dma_start3A] : memref<10240x64xf32, #tpu.memory_space<vmem_shared>> -> memref<128x64xf32, #tpu.memory_space<vmem_shared>>
      %dma_start3A_43 = arith.constant 0 : i32
      %dma_start3A_44 = tpu.memref_slice %arg10[%add3A_10, %dma_start3A_43] : memref<10240x64xf32, #tpu.memory_space<vmem_shared>> -> memref<128x64xf32, #tpu.memory_space<vmem_shared>>
      tpu.enqueue_dma source(%arg9 : memref<128x64xf32, #tpu.memory_space<vmem>>) target(%dma_start3A_44 : memref<128x64xf32, #tpu.memory_space<vmem_shared>>) target_semaphore(%run_scoped3A : memref<!tpu.dma_semaphore, #tpu.memory_space<semaphore_mem>>)
      %dma_wait3A = arith.constant 0 : i32
      %dma_wait3A_45 = tpu.memref_slice %arg10[%add3A_10, %dma_wait3A] : memref<10240x64xf32, #tpu.memory_space<vmem_shared>> -> memref<128x64xf32, #tpu.memory_space<vmem_shared>>
      %dma_wait3A_46 = arith.constant 0 : i32
      %dma_wait3A_47 = tpu.memref_slice %arg10[%add3A_10, %dma_wait3A_46] : memref<10240x64xf32, #tpu.memory_space<vmem_shared>> -> memref<128x64xf32, #tpu.memory_space<vmem_shared>>
      tpu.wait_dma2 semaphore(%run_scoped3A : memref<!tpu.dma_semaphore, #tpu.memory_space<semaphore_mem>>) src(%arg9 : memref<128x64xf32, #tpu.memory_space<vmem>>) dst(%dma_wait3A_47 : memref<128x64xf32, #tpu.memory_space<vmem_shared>>)
      tpu.yield
    }) : () -> ()
    %mul3A_11 = arith.constant 640 : i32
    %mul3A_12 = arith.muli %arg1, %mul3A_11 : i32
    %add3A_13 = arith.constant 256 : i32
    %add3A_14 = arith.addi %mul3A_12, %add3A_13 : i32
    "tpu.region"() ({
      %run_scoped3A = tpu.sem_alloc : memref<!tpu.dma_semaphore, #tpu.memory_space<semaphore_mem>>
      %dma_start3A = arith.constant 0 : i32
      %dma_start3A_42 = tpu.memref_slice %arg10[%add3A_14, %dma_start3A] : memref<10240x64xf32, #tpu.memory_space<vmem_shared>> -> memref<128x64xf32, #tpu.memory_space<vmem_shared>>
      %dma_start3A_43 = arith.constant 0 : i32
      %dma_start3A_44 = tpu.memref_slice %arg10[%add3A_14, %dma_start3A_43] : memref<10240x64xf32, #tpu.memory_space<vmem_shared>> -> memref<128x64xf32, #tpu.memory_space<vmem_shared>>
      tpu.enqueue_dma source(%arg9 : memref<128x64xf32, #tpu.memory_space<vmem>>) target(%dma_start3A_44 : memref<128x64xf32, #tpu.memory_space<vmem_shared>>) target_semaphore(%run_scoped3A : memref<!tpu.dma_semaphore, #tpu.memory_space<semaphore_mem>>)
      %dma_wait3A = arith.constant 0 : i32
      %dma_wait3A_45 = tpu.memref_slice %arg10[%add3A_14, %dma_wait3A] : memref<10240x64xf32, #tpu.memory_space<vmem_shared>> -> memref<128x64xf32, #tpu.memory_space<vmem_shared>>
      %dma_wait3A_46 = arith.constant 0 : i32
      %dma_wait3A_47 = tpu.memref_slice %arg10[%add3A_14, %dma_wait3A_46] : memref<10240x64xf32, #tpu.memory_space<vmem_shared>> -> memref<128x64xf32, #tpu.memory_space<vmem_shared>>
      tpu.wait_dma2 semaphore(%run_scoped3A : memref<!tpu.dma_semaphore, #tpu.memory_space<semaphore_mem>>) src(%arg9 : memref<128x64xf32, #tpu.memory_space<vmem>>) dst(%dma_wait3A_47 : memref<128x64xf32, #tpu.memory_space<vmem_shared>>)
      tpu.yield
    }) : () -> ()
    %mul3A_15 = arith.constant 640 : i32
    %mul3A_16 = arith.muli %arg1, %mul3A_15 : i32
    %add3A_17 = arith.constant 384 : i32
    %add3A_18 = arith.addi %mul3A_16, %add3A_17 : i32
    "tpu.region"() ({
      %run_scoped3A = tpu.sem_alloc : memref<!tpu.dma_semaphore, #tpu.memory_space<semaphore_mem>>
      %dma_start3A = arith.constant 0 : i32
      %dma_start3A_42 = tpu.memref_slice %arg10[%add3A_18, %dma_start3A] : memref<10240x64xf32, #tpu.memory_space<vmem_shared>> -> memref<128x64xf32, #tpu.memory_space<vmem_shared>>
      %dma_start3A_43 = arith.constant 0 : i32
      %dma_start3A_44 = tpu.memref_slice %arg10[%add3A_18, %dma_start3A_43] : memref<10240x64xf32, #tpu.memory_space<vmem_shared>> -> memref<128x64xf32, #tpu.memory_space<vmem_shared>>
      tpu.enqueue_dma source(%arg9 : memref<128x64xf32, #tpu.memory_space<vmem>>) target(%dma_start3A_44 : memref<128x64xf32, #tpu.memory_space<vmem_shared>>) target_semaphore(%run_scoped3A : memref<!tpu.dma_semaphore, #tpu.memory_space<semaphore_mem>>)
      %dma_wait3A = arith.constant 0 : i32
      %dma_wait3A_45 = tpu.memref_slice %arg10[%add3A_18, %dma_wait3A] : memref<10240x64xf32, #tpu.memory_space<vmem_shared>> -> memref<128x64xf32, #tpu.memory_space<vmem_shared>>
      %dma_wait3A_46 = arith.constant 0 : i32
      %dma_wait3A_47 = tpu.memref_slice %arg10[%add3A_18, %dma_wait3A_46] : memref<10240x64xf32, #tpu.memory_space<vmem_shared>> -> memref<128x64xf32, #tpu.memory_space<vmem_shared>>
      tpu.wait_dma2 semaphore(%run_scoped3A : memref<!tpu.dma_semaphore, #tpu.memory_space<semaphore_mem>>) src(%arg9 : memref<128x64xf32, #tpu.memory_space<vmem>>) dst(%dma_wait3A_47 : memref<128x64xf32, #tpu.memory_space<vmem_shared>>)
      tpu.yield
    }) : () -> ()
    %mul3A_19 = arith.constant 640 : i32
    %mul3A_20 = arith.muli %arg1, %mul3A_19 : i32
    %add3A_21 = arith.constant 512 : i32
    %add3A_22 = arith.addi %mul3A_20, %add3A_21 : i32
    "tpu.region"() ({
      %run_scoped3A = tpu.sem_alloc : memref<!tpu.dma_semaphore, #tpu.memory_space<semaphore_mem>>
      %dma_start3A = arith.constant 0 : i32
      %dma_start3A_42 = tpu.memref_slice %arg10[%add3A_22, %dma_start3A] : memref<10240x64xf32, #tpu.memory_space<vmem_shared>> -> memref<128x64xf32, #tpu.memory_space<vmem_shared>>
      %dma_start3A_43 = arith.constant 0 : i32
      %dma_start3A_44 = tpu.memref_slice %arg10[%add3A_22, %dma_start3A_43] : memref<10240x64xf32, #tpu.memory_space<vmem_shared>> -> memref<128x64xf32, #tpu.memory_space<vmem_shared>>
      tpu.enqueue_dma source(%arg9 : memref<128x64xf32, #tpu.memory_space<vmem>>) target(%dma_start3A_44 : memref<128x64xf32, #tpu.memory_space<vmem_shared>>) target_semaphore(%run_scoped3A : memref<!tpu.dma_semaphore, #tpu.memory_space<semaphore_mem>>)
      %dma_wait3A = arith.constant 0 : i32
      %dma_wait3A_45 = tpu.memref_slice %arg10[%add3A_22, %dma_wait3A] : memref<10240x64xf32, #tpu.memory_space<vmem_shared>> -> memref<128x64xf32, #tpu.memory_space<vmem_shared>>
      %dma_wait3A_46 = arith.constant 0 : i32
      %dma_wait3A_47 = tpu.memref_slice %arg10[%add3A_22, %dma_wait3A_46] : memref<10240x64xf32, #tpu.memory_space<vmem_shared>> -> memref<128x64xf32, #tpu.memory_space<vmem_shared>>
      tpu.wait_dma2 semaphore(%run_scoped3A : memref<!tpu.dma_semaphore, #tpu.memory_space<semaphore_mem>>) src(%arg9 : memref<128x64xf32, #tpu.memory_space<vmem>>) dst(%dma_wait3A_47 : memref<128x64xf32, #tpu.memory_space<vmem_shared>>)
      tpu.yield
    }) : () -> ()
    "tpu.region"() ({
      %run_scoped3A = tpu.sem_alloc : memref<!tpu.dma_semaphore, #tpu.memory_space<semaphore_mem>>
      %dma_start3A = arith.constant 0 : i32
      %dma_start3A_42 = arith.constant 0 : i32
      %dma_start3A_43 = tpu.memref_slice %arg3[%arg1, %dma_start3A, %dma_start3A_42] : memref<16x250x80xi32, #tpu.memory_space<hbm>> -> memref<1x250x80xi32, #tpu.memory_space<hbm>>
      %dma_start3A_44 = tpu.memref_squeeze %dma_start3A_43 : memref<1x250x80xi32, #tpu.memory_space<hbm>> -> memref<250x80xi32, #tpu.memory_space<hbm>>
      %dma_start3A_45 = arith.constant 0 : i32
      %dma_start3A_46 = arith.constant 0 : i32
      %dma_start3A_47 = tpu.memref_slice %arg3[%arg1, %dma_start3A_45, %dma_start3A_46] : memref<16x250x80xi32, #tpu.memory_space<hbm>> -> memref<1x250x80xi32, #tpu.memory_space<hbm>>
      %dma_start3A_48 = tpu.memref_squeeze %dma_start3A_47 : memref<1x250x80xi32, #tpu.memory_space<hbm>> -> memref<250x80xi32, #tpu.memory_space<hbm>>
      tpu.enqueue_dma source(%dma_start3A_48 : memref<250x80xi32, #tpu.memory_space<hbm>>) target(%arg6 : memref<250x80xi32, #tpu.memory_space<vmem>>) target_semaphore(%run_scoped3A : memref<!tpu.dma_semaphore, #tpu.memory_space<semaphore_mem>>)
      %dma_wait3A = arith.constant 0 : i32
      %dma_wait3A_49 = arith.constant 0 : i32
      %dma_wait3A_50 = tpu.memref_slice %arg3[%arg1, %dma_wait3A, %dma_wait3A_49] : memref<16x250x80xi32, #tpu.memory_space<hbm>> -> memref<1x250x80xi32, #tpu.memory_space<hbm>>
      %dma_wait3A_51 = tpu.memref_squeeze %dma_wait3A_50 : memref<1x250x80xi32, #tpu.memory_space<hbm>> -> memref<250x80xi32, #tpu.memory_space<hbm>>
      %dma_wait3A_52 = arith.constant 0 : i32
      %dma_wait3A_53 = arith.constant 0 : i32
      %dma_wait3A_54 = tpu.memref_slice %arg3[%arg1, %dma_wait3A_52, %dma_wait3A_53] : memref<16x250x80xi32, #tpu.memory_space<hbm>> -> memref<1x250x80xi32, #tpu.memory_space<hbm>>
      %dma_wait3A_55 = tpu.memref_squeeze %dma_wait3A_54 : memref<1x250x80xi32, #tpu.memory_space<hbm>> -> memref<250x80xi32, #tpu.memory_space<hbm>>
      tpu.wait_dma2 semaphore(%run_scoped3A : memref<!tpu.dma_semaphore, #tpu.memory_space<semaphore_mem>>) src(%dma_wait3A_55 : memref<250x80xi32, #tpu.memory_space<hbm>>) dst(%arg6 : memref<250x80xi32, #tpu.memory_space<vmem>>)
      tpu.yield
    }) : () -> ()
    "tpu.region"() ({
      %run_scoped3A = tpu.sem_alloc : memref<!tpu.dma_semaphore, #tpu.memory_space<semaphore_mem>>
      %dma_start3A = arith.constant 0 : i32
      %dma_start3A_42 = arith.constant 0 : i32
      %dma_start3A_43 = tpu.memref_slice %arg4[%arg1, %dma_start3A, %dma_start3A_42] : memref<16x250x80xi32, #tpu.memory_space<hbm>> -> memref<1x250x80xi32, #tpu.memory_space<hbm>>
      %dma_start3A_44 = tpu.memref_squeeze %dma_start3A_43 : memref<1x250x80xi32, #tpu.memory_space<hbm>> -> memref<250x80xi32, #tpu.memory_space<hbm>>
      %dma_start3A_45 = arith.constant 0 : i32
      %dma_start3A_46 = arith.constant 0 : i32
      %dma_start3A_47 = tpu.memref_slice %arg4[%arg1, %dma_start3A_45, %dma_start3A_46] : memref<16x250x80xi32, #tpu.memory_space<hbm>> -> memref<1x250x80xi32, #tpu.memory_space<hbm>>
      %dma_start3A_48 = tpu.memref_squeeze %dma_start3A_47 : memref<1x250x80xi32, #tpu.memory_space<hbm>> -> memref<250x80xi32, #tpu.memory_space<hbm>>
      tpu.enqueue_dma source(%dma_start3A_48 : memref<250x80xi32, #tpu.memory_space<hbm>>) target(%arg7 : memref<250x80xi32, #tpu.memory_space<vmem>>) target_semaphore(%run_scoped3A : memref<!tpu.dma_semaphore, #tpu.memory_space<semaphore_mem>>)
      %dma_wait3A = arith.constant 0 : i32
      %dma_wait3A_49 = arith.constant 0 : i32
      %dma_wait3A_50 = tpu.memref_slice %arg4[%arg1, %dma_wait3A, %dma_wait3A_49] : memref<16x250x80xi32, #tpu.memory_space<hbm>> -> memref<1x250x80xi32, #tpu.memory_space<hbm>>
      %dma_wait3A_51 = tpu.memref_squeeze %dma_wait3A_50 : memref<1x250x80xi32, #tpu.memory_space<hbm>> -> memref<250x80xi32, #tpu.memory_space<hbm>>
      %dma_wait3A_52 = arith.constant 0 : i32
      %dma_wait3A_53 = arith.constant 0 : i32
      %dma_wait3A_54 = tpu.memref_slice %arg4[%arg1, %dma_wait3A_52, %dma_wait3A_53] : memref<16x250x80xi32, #tpu.memory_space<hbm>> -> memref<1x250x80xi32, #tpu.memory_space<hbm>>
      %dma_wait3A_55 = tpu.memref_squeeze %dma_wait3A_54 : memref<1x250x80xi32, #tpu.memory_space<hbm>> -> memref<250x80xi32, #tpu.memory_space<hbm>>
      tpu.wait_dma2 semaphore(%run_scoped3A : memref<!tpu.dma_semaphore, #tpu.memory_space<semaphore_mem>>) src(%dma_wait3A_55 : memref<250x80xi32, #tpu.memory_space<hbm>>) dst(%arg7 : memref<250x80xi32, #tpu.memory_space<vmem>>)
      tpu.yield
    }) : () -> ()
    %scan3A_23 = arith.constant 0 : i32
    %scan3A_24 = arith.constant 0 : i32
    %scan3A_25 = arith.constant 250 : i32
    %scan3A_26 = arith.addi %scan3A_24, %scan3A_25 : i32
    %scan3A_27 = arith.constant 1 : i32
    scf.for %scan3A_42 = %scan3A_24 to %scan3A_26 step %scan3A_27  : i32 {
      %get3A = arith.index_cast %scan3A_42 : i32 to index
      %get3A_43 = arith.constant 0 : index
      %get3A_44 = tpu.vector_load %arg6[%get3A, %get3A_43] {strides = array<i32>} : memref<250x80xi32, #tpu.memory_space<vmem>>, vector<1x16xi32>,
      %get3A_45 = vector.shape_cast %get3A_44 : vector<1x16xi32> to vector<16xi32>
      %mul3A_46 = arith.constant 2 : i32
      %mul3A_47 = vector.broadcast %mul3A_46 : i32 to vector<16xi32>
      %mul3A_48 = arith.muli %get3A_45, %mul3A_47 : vector<16xi32>
      %add3A_49 = vector.broadcast %arg0 : i32 to vector<16xi32>
      %add3A_50 = arith.addi %mul3A_48, %add3A_49 : vector<16xi32>
      %swap3A = arith.index_cast %scan3A_42 : i32 to index
      %swap3A_51 = arith.constant 0 : index
      %swap3A_52 = tpu.vector_load %arg6[%swap3A, %swap3A_51] {strides = array<i32>} : memref<250x80xi32, #tpu.memory_space<vmem>>, vector<1x16xi32>,
      %swap3A_53 = vector.shape_cast %swap3A_52 : vector<1x16xi32> to vector<16xi32>
      %swap3A_54 = vector.shape_cast %add3A_50 : vector<16xi32> to vector<1x16xi32>
      tpu.vector_store %arg6[%swap3A, %swap3A_51], %swap3A_54 {strides = array<i32>} : memref<250x80xi32, #tpu.memory_space<vmem>>, vector<1x16xi32>,
      %get3A_55 = arith.index_cast %scan3A_42 : i32 to index
      %get3A_56 = arith.constant 16 : index
      %get3A_57 = tpu.vector_load %arg6[%get3A_55, %get3A_56] {strides = array<i32>} : memref<250x80xi32, #tpu.memory_space<vmem>>, vector<1x16xi32>,
      %get3A_58 = vector.shape_cast %get3A_57 : vector<1x16xi32> to vector<16xi32>
      %mul3A_59 = arith.constant 2 : i32
      %mul3A_60 = vector.broadcast %mul3A_59 : i32 to vector<16xi32>
      %mul3A_61 = arith.muli %get3A_58, %mul3A_60 : vector<16xi32>
      %add3A_62 = vector.broadcast %arg0 : i32 to vector<16xi32>
      %add3A_63 = arith.addi %mul3A_61, %add3A_62 : vector<16xi32>
      %swap3A_64 = arith.index_cast %scan3A_42 : i32 to index
      %swap3A_65 = arith.constant 16 : index
      %swap3A_66 = tpu.vector_load %arg6[%swap3A_64, %swap3A_65] {strides = array<i32>} : memref<250x80xi32, #tpu.memory_space<vmem>>, vector<1x16xi32>,
      %swap3A_67 = vector.shape_cast %swap3A_66 : vector<1x16xi32> to vector<16xi32>
      %swap3A_68 = vector.shape_cast %add3A_63 : vector<16xi32> to vector<1x16xi32>
      tpu.vector_store %arg6[%swap3A_64, %swap3A_65], %swap3A_68 {strides = array<i32>} : memref<250x80xi32, #tpu.memory_space<vmem>>, vector<1x16xi32>,
      %get3A_69 = arith.index_cast %scan3A_42 : i32 to index
      %get3A_70 = arith.constant 32 : index
      %get3A_71 = tpu.vector_load %arg6[%get3A_69, %get3A_70] {strides = array<i32>} : memref<250x80xi32, #tpu.memory_space<vmem>>, vector<1x16xi32>,
      %get3A_72 = vector.shape_cast %get3A_71 : vector<1x16xi32> to vector<16xi32>
      %mul3A_73 = arith.constant 2 : i32
      %mul3A_74 = vector.broadcast %mul3A_73 : i32 to vector<16xi32>
      %mul3A_75 = arith.muli %get3A_72, %mul3A_74 : vector<16xi32>
      %add3A_76 = vector.broadcast %arg0 : i32 to vector<16xi32>
      %add3A_77 = arith.addi %mul3A_75, %add3A_76 : vector<16xi32>
      %swap3A_78 = arith.index_cast %scan3A_42 : i32 to index
      %swap3A_79 = arith.constant 32 : index
      %swap3A_80 = tpu.vector_load %arg6[%swap3A_78, %swap3A_79] {strides = array<i32>} : memref<250x80xi32, #tpu.memory_space<vmem>>, vector<1x16xi32>,
      %swap3A_81 = vector.shape_cast %swap3A_80 : vector<1x16xi32> to vector<16xi32>
      %swap3A_82 = vector.shape_cast %add3A_77 : vector<16xi32> to vector<1x16xi32>
      tpu.vector_store %arg6[%swap3A_78, %swap3A_79], %swap3A_82 {strides = array<i32>} : memref<250x80xi32, #tpu.memory_space<vmem>>, vector<1x16xi32>,
      %get3A_83 = arith.index_cast %scan3A_42 : i32 to index
      %get3A_84 = arith.constant 48 : index
      %get3A_85 = tpu.vector_load %arg6[%get3A_83, %get3A_84] {strides = array<i32>} : memref<250x80xi32, #tpu.memory_space<vmem>>, vector<1x16xi32>,
      %get3A_86 = vector.shape_cast %get3A_85 : vector<1x16xi32> to vector<16xi32>
      %mul3A_87 = arith.constant 2 : i32
      %mul3A_88 = vector.broadcast %mul3A_87 : i32 to vector<16xi32>
      %mul3A_89 = arith.muli %get3A_86, %mul3A_88 : vector<16xi32>
      %add3A_90 = vector.broadcast %arg0 : i32 to vector<16xi32>
      %add3A_91 = arith.addi %mul3A_89, %add3A_90 : vector<16xi32>
      %swap3A_92 = arith.index_cast %scan3A_42 : i32 to index
      %swap3A_93 = arith.constant 48 : index
      %swap3A_94 = tpu.vector_load %arg6[%swap3A_92, %swap3A_93] {strides = array<i32>} : memref<250x80xi32, #tpu.memory_space<vmem>>, vector<1x16xi32>,
      %swap3A_95 = vector.shape_cast %swap3A_94 : vector<1x16xi32> to vector<16xi32>
      %swap3A_96 = vector.shape_cast %add3A_91 : vector<16xi32> to vector<1x16xi32>
      tpu.vector_store %arg6[%swap3A_92, %swap3A_93], %swap3A_96 {strides = array<i32>} : memref<250x80xi32, #tpu.memory_space<vmem>>, vector<1x16xi32>,
      %get3A_97 = arith.index_cast %scan3A_42 : i32 to index
      %get3A_98 = arith.constant 64 : index
      %get3A_99 = tpu.vector_load %arg6[%get3A_97, %get3A_98] {strides = array<i32>} : memref<250x80xi32, #tpu.memory_space<vmem>>, vector<1x16xi32>,
      %get3A_100 = vector.shape_cast %get3A_99 : vector<1x16xi32> to vector<16xi32>
      %mul3A_101 = arith.constant 2 : i32
      %mul3A_102 = vector.broadcast %mul3A_101 : i32 to vector<16xi32>
      %mul3A_103 = arith.muli %get3A_100, %mul3A_102 : vector<16xi32>
      %add3A_104 = vector.broadcast %arg0 : i32 to vector<16xi32>
      %add3A_105 = arith.addi %mul3A_103, %add3A_104 : vector<16xi32>
      %swap3A_106 = arith.index_cast %scan3A_42 : i32 to index
      %swap3A_107 = arith.constant 64 : index
      %swap3A_108 = tpu.vector_load %arg6[%swap3A_106, %swap3A_107] {strides = array<i32>} : memref<250x80xi32, #tpu.memory_space<vmem>>, vector<1x16xi32>,
      %swap3A_109 = vector.shape_cast %swap3A_108 : vector<1x16xi32> to vector<16xi32>
      %swap3A_110 = vector.shape_cast %add3A_105 : vector<16xi32> to vector<1x16xi32>
      tpu.vector_store %arg6[%swap3A_106, %swap3A_107], %swap3A_110 {strides = array<i32>} : memref<250x80xi32, #tpu.memory_space<vmem>>, vector<1x16xi32>,
    }
    %scan3A_28 = arith.constant 250 : i32
    %barrier3A = arith.constant 0 : index
    tpu.barrier barrier_id(%barrier3A)
    %scan3A_29 = arith.constant 0 : i32
    %scan3A_30 = arith.constant 0 : i32
    %scan3A_31 = arith.constant 250 : i32
    %scan3A_32 = arith.addi %scan3A_30, %scan3A_31 : i32
    %scan3A_33 = arith.constant 1 : i32
    scf.for %scan3A_42 = %scan3A_30 to %scan3A_32 step %scan3A_33  : i32 {
      %dma_start3A = arith.constant 0 : i32
      %dma_start3A_43 = tpu.memref_slice %arg6[%scan3A_42, %dma_start3A] : memref<250x80xi32, #tpu.memory_space<vmem>> -> memref<1x80xi32, #tpu.memory_space<vmem>>
      %dma_start3A_44 = tpu.memref_squeeze %dma_start3A_43 : memref<1x80xi32, #tpu.memory_space<vmem>> -> memref<80xi32, #tpu.memory_space<vmem>>
      %dma_start3A_45 = arith.constant 0 : i32
      %dma_start3A_46 = arith.constant 0 : i32
      %dma_start3A_47 = tpu.memref_slice %arg2[%dma_start3A_45, %dma_start3A_46] : memref<20000x64xf32, #tpu.memory_space<hbm>> -> memref<20000x64xf32, #tpu.memory_space<hbm>>
      tpu.enqueue_indirect_dma source(%dma_start3A_47 : memref<20000x64xf32, #tpu.memory_space<hbm>>) target(%arg8 : memref<80x64xf32, #tpu.memory_space<vmem>>) offsets(%dma_start3A_44 : memref<80xi32, #tpu.memory_space<vmem>>) semaphore(%arg11 : memref<!tpu.dma_semaphore, #tpu.memory_space<semaphore_mem>>)
      %dma_wait3A = arith.constant 0 : i32
      %dma_wait3A_48 = tpu.memref_slice %arg6[%scan3A_42, %dma_wait3A] : memref<250x80xi32, #tpu.memory_space<vmem>> -> memref<1x80xi32, #tpu.memory_space<vmem>>
      %dma_wait3A_49 = tpu.memref_squeeze %dma_wait3A_48 : memref<1x80xi32, #tpu.memory_space<vmem>> -> memref<80xi32, #tpu.memory_space<vmem>>
      %dma_wait3A_50 = arith.constant 0 : i32
      %dma_wait3A_51 = arith.constant 0 : i32
      %dma_wait3A_52 = tpu.memref_slice %arg2[%dma_wait3A_50, %dma_wait3A_51] : memref<20000x64xf32, #tpu.memory_space<hbm>> -> memref<20000x64xf32, #tpu.memory_space<hbm>>
      tpu.wait_indirect_dma semaphore(%arg11 : memref<!tpu.dma_semaphore, #tpu.memory_space<semaphore_mem>>) src(%dma_wait3A_52 : memref<20000x64xf32, #tpu.memory_space<hbm>>) dst(%arg8 : memref<80x64xf32, #tpu.memory_space<vmem>>)
      "tpu.region"() ({
        %run_scoped3A = tpu.sem_alloc : memref<!tpu.dma_semaphore, #tpu.memory_space<semaphore_mem>>
        %dma_start3A_53 = arith.constant 0 : i32
        %dma_start3A_54 = tpu.memref_slice %arg7[%scan3A_42, %dma_start3A_53] : memref<250x80xi32, #tpu.memory_space<vmem>> -> memref<1x80xi32, #tpu.memory_space<vmem>>
        %dma_start3A_55 = tpu.memref_squeeze %dma_start3A_54 : memref<1x80xi32, #tpu.memory_space<vmem>> -> memref<80xi32, #tpu.memory_space<vmem>>
        %dma_start3A_56 = arith.constant 0 : i32
        %dma_start3A_57 = arith.constant 0 : i32
        %dma_start3A_58 = tpu.memref_slice %arg10[%dma_start3A_56, %dma_start3A_57] : memref<10240x64xf32, #tpu.memory_space<vmem_shared>> -> memref<10240x64xf32, #tpu.memory_space<vmem_shared>>
        tpu.enqueue_indirect_dma source(%arg8 : memref<80x64xf32, #tpu.memory_space<vmem>>) target(%dma_start3A_58 : memref<10240x64xf32, #tpu.memory_space<vmem_shared>>) offsets(%dma_start3A_55 : memref<80xi32, #tpu.memory_space<vmem>>) semaphore(%run_scoped3A : memref<!tpu.dma_semaphore, #tpu.memory_space<semaphore_mem>>) {add = true}
        %dma_wait3A_59 = arith.constant 0 : i32
        %dma_wait3A_60 = tpu.memref_slice %arg7[%scan3A_42, %dma_wait3A_59] : memref<250x80xi32, #tpu.memory_space<vmem>> -> memref<1x80xi32, #tpu.memory_space<vmem>>
        %dma_wait3A_61 = tpu.memref_squeeze %dma_wait3A_60 : memref<1x80xi32, #tpu.memory_space<vmem>> -> memref<80xi32, #tpu.memory_space<vmem>>
        %dma_wait3A_62 = arith.constant 0 : i32
        %dma_wait3A_63 = arith.constant 0 : i32
        %dma_wait3A_64 = tpu.memref_slice %arg10[%dma_wait3A_62, %dma_wait3A_63] : memref<10240x64xf32, #tpu.memory_space<vmem_shared>> -> memref<10240x64xf32, #tpu.memory_space<vmem_shared>>
        tpu.wait_indirect_dma semaphore(%run_scoped3A : memref<!tpu.dma_semaphore, #tpu.memory_space<semaphore_mem>>) src(%arg8 : memref<80x64xf32, #tpu.memory_space<vmem>>) dst(%dma_wait3A_64 : memref<10240x64xf32, #tpu.memory_space<vmem_shared>>)
        tpu.yield
      }) : () -> ()
    }
    %scan3A_34 = arith.constant 250 : i32
    %barrier3A_35 = arith.constant 0 : index
    tpu.barrier barrier_id(%barrier3A_35)
    %lt3A = arith.constant 15 : i32
    %lt3A_36 = arith.cmpi slt, %arg1, %lt3A : i32
    %convert_element_type3A = arith.extui %lt3A_36 : i1 to i32
    %cond3A = arith.constant 0 : i32
    %cond3A_37 = arith.cmpi ne, %convert_element_type3A, %cond3A : i32
    scf.if %cond3A_37 {
      %mul3A_42 = arith.constant 640 : i32
      %mul3A_43 = arith.muli %arg1, %mul3A_42 : i32
      %mul3A_44 = arith.constant 640 : i32
      %mul3A_45 = arith.muli %arg1, %mul3A_44 : i32
      "tpu.region"() ({
        %run_scoped3A = tpu.sem_alloc : memref<!tpu.dma_semaphore, #tpu.memory_space<semaphore_mem>>
        %dma_start3A = arith.constant 0 : i32
        %dma_start3A_46 = tpu.memref_slice %arg5[%arg0, %mul3A_45, %dma_start3A] : memref<2x10000x64xf32, #tpu.memory_space<hbm>> -> memref<1x640x64xf32, #tpu.memory_space<hbm>>
        %dma_start3A_47 = tpu.memref_squeeze %dma_start3A_46 : memref<1x640x64xf32, #tpu.memory_space<hbm>> -> memref<640x64xf32, #tpu.memory_space<hbm>>
        %dma_start3A_48 = arith.constant 0 : i32
        %dma_start3A_49 = tpu.memref_slice %arg10[%mul3A_43, %dma_start3A_48] : memref<10240x64xf32, #tpu.memory_space<vmem_shared>> -> memref<640x64xf32, #tpu.memory_space<vmem_shared>>
        tpu.enqueue_dma source(%dma_start3A_49 : memref<640x64xf32, #tpu.memory_space<vmem_shared>>) target(%dma_start3A_47 : memref<640x64xf32, #tpu.memory_space<hbm>>) target_semaphore(%run_scoped3A : memref<!tpu.dma_semaphore, #tpu.memory_space<semaphore_mem>>)
        %dma_wait3A = arith.constant 0 : i32
        %dma_wait3A_50 = tpu.memref_slice %arg5[%arg0, %mul3A_45, %dma_wait3A] : memref<2x10000x64xf32, #tpu.memory_space<hbm>> -> memref<1x640x64xf32, #tpu.memory_space<hbm>>
        %dma_wait3A_51 = tpu.memref_squeeze %dma_wait3A_50 : memref<1x640x64xf32, #tpu.memory_space<hbm>> -> memref<640x64xf32, #tpu.memory_space<hbm>>
        %dma_wait3A_52 = arith.constant 0 : i32
        %dma_wait3A_53 = tpu.memref_slice %arg10[%mul3A_43, %dma_wait3A_52] : memref<10240x64xf32, #tpu.memory_space<vmem_shared>> -> memref<640x64xf32, #tpu.memory_space<vmem_shared>>
        tpu.wait_dma2 semaphore(%run_scoped3A : memref<!tpu.dma_semaphore, #tpu.memory_space<semaphore_mem>>) src(%dma_wait3A_53 : memref<640x64xf32, #tpu.memory_space<vmem_shared>>) dst(%dma_wait3A_51 : memref<640x64xf32, #tpu.memory_space<hbm>>)
        tpu.yield
      }) : () -> ()
    } else {
    }
    %eq3A = arith.constant 15 : i32
    %eq3A_38 = arith.cmpi eq, %arg1, %eq3A : i32
    %convert_element_type3A_39 = arith.extui %eq3A_38 : i1 to i32
    %cond3A_40 = arith.constant 0 : i32
    %cond3A_41 = arith.cmpi ne, %convert_element_type3A_39, %cond3A_40 : i32
    scf.if %cond3A_41 {
      "tpu.region"() ({
        %run_scoped3A = tpu.sem_alloc : memref<!tpu.dma_semaphore, #tpu.memory_space<semaphore_mem>>
        %dma_start3A = arith.constant 9600 : i32
        %dma_start3A_42 = arith.constant 0 : i32
        %dma_start3A_43 = tpu.memref_slice %arg5[%arg0, %dma_start3A, %dma_start3A_42] : memref<2x10000x64xf32, #tpu.memory_space<hbm>> -> memref<1x400x64xf32, #tpu.memory_space<hbm>>
        %dma_start3A_44 = tpu.memref_squeeze %dma_start3A_43 : memref<1x400x64xf32, #tpu.memory_space<hbm>> -> memref<400x64xf32, #tpu.memory_space<hbm>>
        %dma_start3A_45 = arith.constant 9600 : i32
        %dma_start3A_46 = arith.constant 0 : i32
        %dma_start3A_47 = tpu.memref_slice %arg10[%dma_start3A_45, %dma_start3A_46] : memref<10240x64xf32, #tpu.memory_space<vmem_shared>> -> memref<400x64xf32, #tpu.memory_space<vmem_shared>>
        tpu.enqueue_dma source(%dma_start3A_47 : memref<400x64xf32, #tpu.memory_space<vmem_shared>>) target(%dma_start3A_44 : memref<400x64xf32, #tpu.memory_space<hbm>>) target_semaphore(%run_scoped3A : memref<!tpu.dma_semaphore, #tpu.memory_space<semaphore_mem>>)
        %dma_wait3A = arith.constant 9600 : i32
        %dma_wait3A_48 = arith.constant 0 : i32
        %dma_wait3A_49 = tpu.memref_slice %arg5[%arg0, %dma_wait3A, %dma_wait3A_48] : memref<2x10000x64xf32, #tpu.memory_space<hbm>> -> memref<1x400x64xf32, #tpu.memory_space<hbm>>
        %dma_wait3A_50 = tpu.memref_squeeze %dma_wait3A_49 : memref<1x400x64xf32, #tpu.memory_space<hbm>> -> memref<400x64xf32, #tpu.memory_space<hbm>>
        %dma_wait3A_51 = arith.constant 9600 : i32
        %dma_wait3A_52 = arith.constant 0 : i32
        %dma_wait3A_53 = tpu.memref_slice %arg10[%dma_wait3A_51, %dma_wait3A_52] : memref<10240x64xf32, #tpu.memory_space<vmem_shared>> -> memref<400x64xf32, #tpu.memory_space<vmem_shared>>
        tpu.wait_dma2 semaphore(%run_scoped3A : memref<!tpu.dma_semaphore, #tpu.memory_space<semaphore_mem>>) src(%dma_wait3A_53 : memref<400x64xf32, #tpu.memory_space<vmem_shared>>) dst(%dma_wait3A_50 : memref<400x64xf32, #tpu.memory_space<hbm>>)
        tpu.yield
      }) : () -> ()
    } else {
    }
    return
  }
}

#map = affine_map<(d0, d1) -> (0, 0)>
#map1 = affine_map<(d0, d1) -> (0, 0, 0)>
module attributes {stable_mosaic.version = 14 : i64} {
  func.func @body(%arg0: i32, %arg1: i32, %arg2: memref<20000x64xf32, #tpu.memory_space<hbm>>, %arg3: memref<16x250x80xi32, #tpu.memory_space<hbm>>, %arg4: memref<16x250x80xi32, #tpu.memory_space<hbm>>, %arg5: memref<2x10000x64xf32, #tpu.memory_space<hbm>>, %arg6: memref<250x80xi32, #tpu.memory_space<vmem>>, %arg7: memref<250x80xi32, #tpu.memory_space<vmem>>, %arg8: memref<80x64xf32, #tpu.memory_space<vmem>>, %arg9: memref<128x64xf32, #tpu.memory_space<vmem>>, %arg10: memref<10240x64xf32, #tpu.memory_space<vmem_shared>>, %arg11: memref<!tpu.dma_semaphore, #tpu.memory_space<semaphore_mem>>) attributes {dimension_semantics = [#tpu.dimension_semantics<core_parallel>, #tpu.dimension_semantics<subcore_parallel>], iteration_bounds = array<i64: 2, 16>, scalar_prefetch = 0 : i64, scratch_operands = 6 : i64, tpu.core_type = #tpu.core_type<sc_vector_subcore>, window_params = [{transform_indices = #map}, {transform_indices = #map1}, {transform_indices = #map1}, {transform_indices = #map1}]} {
    %scan3A = arith.constant 0 : i32
    %scan3A_0 = arith.constant 0 : i32
    %scan3A_1 = arith.constant 128 : i32
    %scan3A_2 = arith.addi %scan3A_0, %scan3A_1 : i32
    %scan3A_3 = arith.constant 1 : i32
    scf.for %scan3A_42 = %scan3A_0 to %scan3A_2 step %scan3A_3  : i32 {
      %broadcast_in_dim3A = arith.constant 0.000000e+00 : f32
      %broadcast_in_dim3A_43 = vector.broadcast %broadcast_in_dim3A : f32 to vector<16xf32>
      %swap3A = arith.index_cast %scan3A_42 : i32 to index
      %swap3A_44 = arith.constant 0 : index
      %swap3A_45 = tpu.vector_load %arg9[%swap3A, %swap3A_44] {strides = array<i32>} : memref<128x64xf32, #tpu.memory_space<vmem>>, vector<1x16xf32>,
      %swap3A_46 = vector.shape_cast %swap3A_45 : vector<1x16xf32> to vector<16xf32>
      %swap3A_47 = vector.shape_cast %broadcast_in_dim3A_43 : vector<16xf32> to vector<1x16xf32>
      tpu.vector_store %arg9[%swap3A, %swap3A_44], %swap3A_47 {strides = array<i32>} : memref<128x64xf32, #tpu.memory_space<vmem>>, vector<1x16xf32>,
      %broadcast_in_dim3A_48 = arith.constant 0.000000e+00 : f32
      %broadcast_in_dim3A_49 = vector.broadcast %broadcast_in_dim3A_48 : f32 to vector<16xf32>
      %swap3A_50 = arith.index_cast %scan3A_42 : i32 to index
      %swap3A_51 = arith.constant 16 : index
      %swap3A_52 = tpu.vector_load %arg9[%swap3A_50, %swap3A_51] {strides = array<i32>} : memref<128x64xf32, #tpu.memory_space<vmem>>, vector<1x16xf32>,
      %swap3A_53 = vector.shape_cast %swap3A_52 : vector<1x16xf32> to vector<16xf32>
      %swap3A_54 = vector.shape_cast %broadcast_in_dim3A_49 : vector<16xf32> to vector<1x16xf32>
      tpu.vector_store %arg9[%swap3A_50, %swap3A_51], %swap3A_54 {strides = array<i32>} : memref<128x64xf32, #tpu.memory_space<vmem>>, vector<1x16xf32>,
      %broadcast_in_dim3A_55 = arith.constant 0.000000e+00 : f32
      %broadcast_in_dim3A_56 = vector.broadcast %broadcast_in_dim3A_55 : f32 to vector<16xf32>
      %swap3A_57 = arith.index_cast %scan3A_42 : i32 to index
      %swap3A_58 = arith.constant 32 : index
      %swap3A_59 = tpu.vector_load %arg9[%swap3A_57, %swap3A_58] {strides = array<i32>} : memref<128x64xf32, #tpu.memory_space<vmem>>, vector<1x16xf32>,
      %swap3A_60 = vector.shape_cast %swap3A_59 : vector<1x16xf32> to vector<16xf32>
      %swap3A_61 = vector.shape_cast %broadcast_in_dim3A_56 : vector<16xf32> to vector<1x16xf32>
      tpu.vector_store %arg9[%swap3A_57, %swap3A_58], %swap3A_61 {strides = array<i32>} : memref<128x64xf32, #tpu.memory_space<vmem>>, vector<1x16xf32>,
      %broadcast_in_dim3A_62 = arith.constant 0.000000e+00 : f32
      %broadcast_in_dim3A_63 = vector.broadcast %broadcast_in_dim3A_62 : f32 to vector<16xf32>
      %swap3A_64 = arith.index_cast %scan3A_42 : i32 to index
      %swap3A_65 = arith.constant 48 : index
      %swap3A_66 = tpu.vector_load %arg9[%swap3A_64, %swap3A_65] {strides = array<i32>} : memref<128x64xf32, #tpu.memory_space<vmem>>, vector<1x16xf32>,
      %swap3A_67 = vector.shape_cast %swap3A_66 : vector<1x16xf32> to vector<16xf32>
      %swap3A_68 = vector.shape_cast %broadcast_in_dim3A_63 : vector<16xf32> to vector<1x16xf32>
      tpu.vector_store %arg9[%swap3A_64, %swap3A_65], %swap3A_68 {strides = array<i32>} : memref<128x64xf32, #tpu.memory_space<vmem>>, vector<1x16xf32>,
    }
    %scan3A_4 = arith.constant 128 : i32
    %mul3A = arith.constant 640 : i32
    %mul3A_5 = arith.muli %arg1, %mul3A : i32
    %add3A = arith.constant 0 : i32
    %add3A_6 = arith.addi %mul3A_5, %add3A : i32
    "tpu.region"() ({
      %run_scoped3A = tpu.sem_alloc : memref<!tpu.dma_semaphore, #tpu.memory_space<semaphore_mem>>
      %dma_start3A = arith.constant 0 : i32
      %dma_start3A_42 = tpu.memref_slice %arg10[%add3A_6, %dma_start3A] : memref<10240x64xf32, #tpu.memory_space<vmem_shared>> -> memref<128x64xf32, #tpu.memory_space<vmem_shared>>
      %dma_start3A_43 = arith.constant 0 : i32
      %dma_start3A_44 = tpu.memref_slice %arg10[%add3A_6, %dma_start3A_43] : memref<10240x64xf32, #tpu.memory_space<vmem_shared>> -> memref<128x64xf32, #tpu.memory_space<vmem_shared>>
      tpu.enqueue_dma source(%arg9 : memref<128x64xf32, #tpu.memory_space<vmem>>) target(%dma_start3A_44 : memref<128x64xf32, #tpu.memory_space<vmem_shared>>) target_semaphore(%run_scoped3A : memref<!tpu.dma_semaphore, #tpu.memory_space<semaphore_mem>>)
      %dma_wait3A = arith.constant 0 : i32
      %dma_wait3A_45 = tpu.memref_slice %arg10[%add3A_6, %dma_wait3A] : memref<10240x64xf32, #tpu.memory_space<vmem_shared>> -> memref<128x64xf32, #tpu.memory_space<vmem_shared>>
      %dma_wait3A_46 = arith.constant 0 : i32
      %dma_wait3A_47 = tpu.memref_slice %arg10[%add3A_6, %dma_wait3A_46] : memref<10240x64xf32, #tpu.memory_space<vmem_shared>> -> memref<128x64xf32, #tpu.memory_space<vmem_shared>>
      tpu.wait_dma2 semaphore(%run_scoped3A : memref<!tpu.dma_semaphore, #tpu.memory_space<semaphore_mem>>) src(%arg9 : memref<128x64xf32, #tpu.memory_space<vmem>>) dst(%dma_wait3A_47 : memref<128x64xf32, #tpu.memory_space<vmem_shared>>)
      tpu.yield
    }) : () -> ()
    %mul3A_7 = arith.constant 640 : i32
    %mul3A_8 = arith.muli %arg1, %mul3A_7 : i32
    %add3A_9 = arith.constant 128 : i32
    %add3A_10 = arith.addi %mul3A_8, %add3A_9 : i32
    "tpu.region"() ({
      %run_scoped3A = tpu.sem_alloc : memref<!tpu.dma_semaphore, #tpu.memory_space<semaphore_mem>>
      %dma_start3A = arith.constant 0 : i32
      %dma_start3A_42 = tpu.memref_slice %arg10[%add3A_10, %dma_start3A] : memref<10240x64xf32, #tpu.memory_space<vmem_shared>> -> memref<128x64xf32, #tpu.memory_space<vmem_shared>>
      %dma_start3A_43 = arith.constant 0 : i32
      %dma_start3A_44 = tpu.memref_slice %arg10[%add3A_10, %dma_start3A_43] : memref<10240x64xf32, #tpu.memory_space<vmem_shared>> -> memref<128x64xf32, #tpu.memory_space<vmem_shared>>
      tpu.enqueue_dma source(%arg9 : memref<128x64xf32, #tpu.memory_space<vmem>>) target(%dma_start3A_44 : memref<128x64xf32, #tpu.memory_space<vmem_shared>>) target_semaphore(%run_scoped3A : memref<!tpu.dma_semaphore, #tpu.memory_space<semaphore_mem>>)
      %dma_wait3A = arith.constant 0 : i32
      %dma_wait3A_45 = tpu.memref_slice %arg10[%add3A_10, %dma_wait3A] : memref<10240x64xf32, #tpu.memory_space<vmem_shared>> -> memref<128x64xf32, #tpu.memory_space<vmem_shared>>
      %dma_wait3A_46 = arith.constant 0 : i32
      %dma_wait3A_47 = tpu.memref_slice %arg10[%add3A_10, %dma_wait3A_46] : memref<10240x64xf32, #tpu.memory_space<vmem_shared>> -> memref<128x64xf32, #tpu.memory_space<vmem_shared>>
      tpu.wait_dma2 semaphore(%run_scoped3A : memref<!tpu.dma_semaphore, #tpu.memory_space<semaphore_mem>>) src(%arg9 : memref<128x64xf32, #tpu.memory_space<vmem>>) dst(%dma_wait3A_47 : memref<128x64xf32, #tpu.memory_space<vmem_shared>>)
      tpu.yield
    }) : () -> ()
    %mul3A_11 = arith.constant 640 : i32
    %mul3A_12 = arith.muli %arg1, %mul3A_11 : i32
    %add3A_13 = arith.constant 256 : i32
    %add3A_14 = arith.addi %mul3A_12, %add3A_13 : i32
    "tpu.region"() ({
      %run_scoped3A = tpu.sem_alloc : memref<!tpu.dma_semaphore, #tpu.memory_space<semaphore_mem>>
      %dma_start3A = arith.constant 0 : i32
      %dma_start3A_42 = tpu.memref_slice %arg10[%add3A_14, %dma_start3A] : memref<10240x64xf32, #tpu.memory_space<vmem_shared>> -> memref<128x64xf32, #tpu.memory_space<vmem_shared>>
      %dma_start3A_43 = arith.constant 0 : i32
      %dma_start3A_44 = tpu.memref_slice %arg10[%add3A_14, %dma_start3A_43] : memref<10240x64xf32, #tpu.memory_space<vmem_shared>> -> memref<128x64xf32, #tpu.memory_space<vmem_shared>>
      tpu.enqueue_dma source(%arg9 : memref<128x64xf32, #tpu.memory_space<vmem>>) target(%dma_start3A_44 : memref<128x64xf32, #tpu.memory_space<vmem_shared>>) target_semaphore(%run_scoped3A : memref<!tpu.dma_semaphore, #tpu.memory_space<semaphore_mem>>)
      %dma_wait3A = arith.constant 0 : i32
      %dma_wait3A_45 = tpu.memref_slice %arg10[%add3A_14, %dma_wait3A] : memref<10240x64xf32, #tpu.memory_space<vmem_shared>> -> memref<128x64xf32, #tpu.memory_space<vmem_shared>>
      %dma_wait3A_46 = arith.constant 0 : i32
      %dma_wait3A_47 = tpu.memref_slice %arg10[%add3A_14, %dma_wait3A_46] : memref<10240x64xf32, #tpu.memory_space<vmem_shared>> -> memref<128x64xf32, #tpu.memory_space<vmem_shared>>
      tpu.wait_dma2 semaphore(%run_scoped3A : memref<!tpu.dma_semaphore, #tpu.memory_space<semaphore_mem>>) src(%arg9 : memref<128x64xf32, #tpu.memory_space<vmem>>) dst(%dma_wait3A_47 : memref<128x64xf32, #tpu.memory_space<vmem_shared>>)
      tpu.yield
    }) : () -> ()
    %mul3A_15 = arith.constant 640 : i32
    %mul3A_16 = arith.muli %arg1, %mul3A_15 : i32
    %add3A_17 = arith.constant 384 : i32
    %add3A_18 = arith.addi %mul3A_16, %add3A_17 : i32
    "tpu.region"() ({
      %run_scoped3A = tpu.sem_alloc : memref<!tpu.dma_semaphore, #tpu.memory_space<semaphore_mem>>
      %dma_start3A = arith.constant 0 : i32
      %dma_start3A_42 = tpu.memref_slice %arg10[%add3A_18, %dma_start3A] : memref<10240x64xf32, #tpu.memory_space<vmem_shared>> -> memref<128x64xf32, #tpu.memory_space<vmem_shared>>
      %dma_start3A_43 = arith.constant 0 : i32
      %dma_start3A_44 = tpu.memref_slice %arg10[%add3A_18, %dma_start3A_43] : memref<10240x64xf32, #tpu.memory_space<vmem_shared>> -> memref<128x64xf32, #tpu.memory_space<vmem_shared>>
      tpu.enqueue_dma source(%arg9 : memref<128x64xf32, #tpu.memory_space<vmem>>) target(%dma_start3A_44 : memref<128x64xf32, #tpu.memory_space<vmem_shared>>) target_semaphore(%run_scoped3A : memref<!tpu.dma_semaphore, #tpu.memory_space<semaphore_mem>>)
      %dma_wait3A = arith.constant 0 : i32
      %dma_wait3A_45 = tpu.memref_slice %arg10[%add3A_18, %dma_wait3A] : memref<10240x64xf32, #tpu.memory_space<vmem_shared>> -> memref<128x64xf32, #tpu.memory_space<vmem_shared>>
      %dma_wait3A_46 = arith.constant 0 : i32
      %dma_wait3A_47 = tpu.memref_slice %arg10[%add3A_18, %dma_wait3A_46] : memref<10240x64xf32, #tpu.memory_space<vmem_shared>> -> memref<128x64xf32, #tpu.memory_space<vmem_shared>>
      tpu.wait_dma2 semaphore(%run_scoped3A : memref<!tpu.dma_semaphore, #tpu.memory_space<semaphore_mem>>) src(%arg9 : memref<128x64xf32, #tpu.memory_space<vmem>>) dst(%dma_wait3A_47 : memref<128x64xf32, #tpu.memory_space<vmem_shared>>)
      tpu.yield
    }) : () -> ()
    %mul3A_19 = arith.constant 640 : i32
    %mul3A_20 = arith.muli %arg1, %mul3A_19 : i32
    %add3A_21 = arith.constant 512 : i32
    %add3A_22 = arith.addi %mul3A_20, %add3A_21 : i32
    "tpu.region"() ({
      %run_scoped3A = tpu.sem_alloc : memref<!tpu.dma_semaphore, #tpu.memory_space<semaphore_mem>>
      %dma_start3A = arith.constant 0 : i32
      %dma_start3A_42 = tpu.memref_slice %arg10[%add3A_22, %dma_start3A] : memref<10240x64xf32, #tpu.memory_space<vmem_shared>> -> memref<128x64xf32, #tpu.memory_space<vmem_shared>>
      %dma_start3A_43 = arith.constant 0 : i32
      %dma_start3A_44 = tpu.memref_slice %arg10[%add3A_22, %dma_start3A_43] : memref<10240x64xf32, #tpu.memory_space<vmem_shared>> -> memref<128x64xf32, #tpu.memory_space<vmem_shared>>
      tpu.enqueue_dma source(%arg9 : memref<128x64xf32, #tpu.memory_space<vmem>>) target(%dma_start3A_44 : memref<128x64xf32, #tpu.memory_space<vmem_shared>>) target_semaphore(%run_scoped3A : memref<!tpu.dma_semaphore, #tpu.memory_space<semaphore_mem>>)
      %dma_wait3A = arith.constant 0 : i32
      %dma_wait3A_45 = tpu.memref_slice %arg10[%add3A_22, %dma_wait3A] : memref<10240x64xf32, #tpu.memory_space<vmem_shared>> -> memref<128x64xf32, #tpu.memory_space<vmem_shared>>
      %dma_wait3A_46 = arith.constant 0 : i32
      %dma_wait3A_47 = tpu.memref_slice %arg10[%add3A_22, %dma_wait3A_46] : memref<10240x64xf32, #tpu.memory_space<vmem_shared>> -> memref<128x64xf32, #tpu.memory_space<vmem_shared>>
      tpu.wait_dma2 semaphore(%run_scoped3A : memref<!tpu.dma_semaphore, #tpu.memory_space<semaphore_mem>>) src(%arg9 : memref<128x64xf32, #tpu.memory_space<vmem>>) dst(%dma_wait3A_47 : memref<128x64xf32, #tpu.memory_space<vmem_shared>>)
      tpu.yield
    }) : () -> ()
    "tpu.region"() ({
      %run_scoped3A = tpu.sem_alloc : memref<!tpu.dma_semaphore, #tpu.memory_space<semaphore_mem>>
      %dma_start3A = arith.constant 0 : i32
      %dma_start3A_42 = arith.constant 0 : i32
      %dma_start3A_43 = tpu.memref_slice %arg3[%arg1, %dma_start3A, %dma_start3A_42] : memref<16x250x80xi32, #tpu.memory_space<hbm>> -> memref<1x250x80xi32, #tpu.memory_space<hbm>>
      %dma_start3A_44 = tpu.memref_squeeze %dma_start3A_43 : memref<1x250x80xi32, #tpu.memory_space<hbm>> -> memref<250x80xi32, #tpu.memory_space<hbm>>
      %dma_start3A_45 = arith.constant 0 : i32
      %dma_start3A_46 = arith.constant 0 : i32
      %dma_start3A_47 = tpu.memref_slice %arg3[%arg1, %dma_start3A_45, %dma_start3A_46] : memref<16x250x80xi32, #tpu.memory_space<hbm>> -> memref<1x250x80xi32, #tpu.memory_space<hbm>>
      %dma_start3A_48 = tpu.memref_squeeze %dma_start3A_47 : memref<1x250x80xi32, #tpu.memory_space<hbm>> -> memref<250x80xi32, #tpu.memory_space<hbm>>
      tpu.enqueue_dma source(%dma_start3A_48 : memref<250x80xi32, #tpu.memory_space<hbm>>) target(%arg6 : memref<250x80xi32, #tpu.memory_space<vmem>>) target_semaphore(%run_scoped3A : memref<!tpu.dma_semaphore, #tpu.memory_space<semaphore_mem>>)
      %dma_wait3A = arith.constant 0 : i32
      %dma_wait3A_49 = arith.constant 0 : i32
      %dma_wait3A_50 = tpu.memref_slice %arg3[%arg1, %dma_wait3A, %dma_wait3A_49] : memref<16x250x80xi32, #tpu.memory_space<hbm>> -> memref<1x250x80xi32, #tpu.memory_space<hbm>>
      %dma_wait3A_51 = tpu.memref_squeeze %dma_wait3A_50 : memref<1x250x80xi32, #tpu.memory_space<hbm>> -> memref<250x80xi32, #tpu.memory_space<hbm>>
      %dma_wait3A_52 = arith.constant 0 : i32
      %dma_wait3A_53 = arith.constant 0 : i32
      %dma_wait3A_54 = tpu.memref_slice %arg3[%arg1, %dma_wait3A_52, %dma_wait3A_53] : memref<16x250x80xi32, #tpu.memory_space<hbm>> -> memref<1x250x80xi32, #tpu.memory_space<hbm>>
      %dma_wait3A_55 = tpu.memref_squeeze %dma_wait3A_54 : memref<1x250x80xi32, #tpu.memory_space<hbm>> -> memref<250x80xi32, #tpu.memory_space<hbm>>
      tpu.wait_dma2 semaphore(%run_scoped3A : memref<!tpu.dma_semaphore, #tpu.memory_space<semaphore_mem>>) src(%dma_wait3A_55 : memref<250x80xi32, #tpu.memory_space<hbm>>) dst(%arg6 : memref<250x80xi32, #tpu.memory_space<vmem>>)
      tpu.yield
    }) : () -> ()
    "tpu.region"() ({
      %run_scoped3A = tpu.sem_alloc : memref<!tpu.dma_semaphore, #tpu.memory_space<semaphore_mem>>
      %dma_start3A = arith.constant 0 : i32
      %dma_start3A_42 = arith.constant 0 : i32
      %dma_start3A_43 = tpu.memref_slice %arg4[%arg1, %dma_start3A, %dma_start3A_42] : memref<16x250x80xi32, #tpu.memory_space<hbm>> -> memref<1x250x80xi32, #tpu.memory_space<hbm>>
      %dma_start3A_44 = tpu.memref_squeeze %dma_start3A_43 : memref<1x250x80xi32, #tpu.memory_space<hbm>> -> memref<250x80xi32, #tpu.memory_space<hbm>>
      %dma_start3A_45 = arith.constant 0 : i32
      %dma_start3A_46 = arith.constant 0 : i32
      %dma_start3A_47 = tpu.memref_slice %arg4[%arg1, %dma_start3A_45, %dma_start3A_46] : memref<16x250x80xi32, #tpu.memory_space<hbm>> -> memref<1x250x80xi32, #tpu.memory_space<hbm>>
      %dma_start3A_48 = tpu.memref_squeeze %dma_start3A_47 : memref<1x250x80xi32, #tpu.memory_space<hbm>> -> memref<250x80xi32, #tpu.memory_space<hbm>>
      tpu.enqueue_dma source(%dma_start3A_48 : memref<250x80xi32, #tpu.memory_space<hbm>>) target(%arg7 : memref<250x80xi32, #tpu.memory_space<vmem>>) target_semaphore(%run_scoped3A : memref<!tpu.dma_semaphore, #tpu.memory_space<semaphore_mem>>)
      %dma_wait3A = arith.constant 0 : i32
      %dma_wait3A_49 = arith.constant 0 : i32
      %dma_wait3A_50 = tpu.memref_slice %arg4[%arg1, %dma_wait3A, %dma_wait3A_49] : memref<16x250x80xi32, #tpu.memory_space<hbm>> -> memref<1x250x80xi32, #tpu.memory_space<hbm>>
      %dma_wait3A_51 = tpu.memref_squeeze %dma_wait3A_50 : memref<1x250x80xi32, #tpu.memory_space<hbm>> -> memref<250x80xi32, #tpu.memory_space<hbm>>
      %dma_wait3A_52 = arith.constant 0 : i32
      %dma_wait3A_53 = arith.constant 0 : i32
      %dma_wait3A_54 = tpu.memref_slice %arg4[%arg1, %dma_wait3A_52, %dma_wait3A_53] : memref<16x250x80xi32, #tpu.memory_space<hbm>> -> memref<1x250x80xi32, #tpu.memory_space<hbm>>
      %dma_wait3A_55 = tpu.memref_squeeze %dma_wait3A_54 : memref<1x250x80xi32, #tpu.memory_space<hbm>> -> memref<250x80xi32, #tpu.memory_space<hbm>>
      tpu.wait_dma2 semaphore(%run_scoped3A : memref<!tpu.dma_semaphore, #tpu.memory_space<semaphore_mem>>) src(%dma_wait3A_55 : memref<250x80xi32, #tpu.memory_space<hbm>>) dst(%arg7 : memref<250x80xi32, #tpu.memory_space<vmem>>)
      tpu.yield
    }) : () -> ()
    %scan3A_23 = arith.constant 0 : i32
    %scan3A_24 = arith.constant 0 : i32
    %scan3A_25 = arith.constant 250 : i32
    %scan3A_26 = arith.addi %scan3A_24, %scan3A_25 : i32
    %scan3A_27 = arith.constant 1 : i32
    scf.for %scan3A_42 = %scan3A_24 to %scan3A_26 step %scan3A_27  : i32 {
      %get3A = arith.index_cast %scan3A_42 : i32 to index
      %get3A_43 = arith.constant 0 : index
      %get3A_44 = tpu.vector_load %arg6[%get3A, %get3A_43] {strides = array<i32>} : memref<250x80xi32, #tpu.memory_space<vmem>>, vector<1x16xi32>,
      %get3A_45 = vector.shape_cast %get3A_44 : vector<1x16xi32> to vector<16xi32>
      %mul3A_46 = arith.constant 2 : i32
      %mul3A_47 = vector.broadcast %mul3A_46 : i32 to vector<16xi32>
      %mul3A_48 = arith.muli %get3A_45, %mul3A_47 : vector<16xi32>
      %add3A_49 = vector.broadcast %arg0 : i32 to vector<16xi32>
      %add3A_50 = arith.addi %mul3A_48, %add3A_49 : vector<16xi32>
      %swap3A = arith.index_cast %scan3A_42 : i32 to index
      %swap3A_51 = arith.constant 0 : index
      %swap3A_52 = tpu.vector_load %arg6[%swap3A, %swap3A_51] {strides = array<i32>} : memref<250x80xi32, #tpu.memory_space<vmem>>, vector<1x16xi32>,
      %swap3A_53 = vector.shape_cast %swap3A_52 : vector<1x16xi32> to vector<16xi32>
      %swap3A_54 = vector.shape_cast %add3A_50 : vector<16xi32> to vector<1x16xi32>
      tpu.vector_store %arg6[%swap3A, %swap3A_51], %swap3A_54 {strides = array<i32>} : memref<250x80xi32, #tpu.memory_space<vmem>>, vector<1x16xi32>,
      %get3A_55 = arith.index_cast %scan3A_42 : i32 to index
      %get3A_56 = arith.constant 16 : index
      %get3A_57 = tpu.vector_load %arg6[%get3A_55, %get3A_56] {strides = array<i32>} : memref<250x80xi32, #tpu.memory_space<vmem>>, vector<1x16xi32>,
      %get3A_58 = vector.shape_cast %get3A_57 : vector<1x16xi32> to vector<16xi32>
      %mul3A_59 = arith.constant 2 : i32
      %mul3A_60 = vector.broadcast %mul3A_59 : i32 to vector<16xi32>
      %mul3A_61 = arith.muli %get3A_58, %mul3A_60 : vector<16xi32>
      %add3A_62 = vector.broadcast %arg0 : i32 to vector<16xi32>
      %add3A_63 = arith.addi %mul3A_61, %add3A_62 : vector<16xi32>
      %swap3A_64 = arith.index_cast %scan3A_42 : i32 to index
      %swap3A_65 = arith.constant 16 : index
      %swap3A_66 = tpu.vector_load %arg6[%swap3A_64, %swap3A_65] {strides = array<i32>} : memref<250x80xi32, #tpu.memory_space<vmem>>, vector<1x16xi32>,
      %swap3A_67 = vector.shape_cast %swap3A_66 : vector<1x16xi32> to vector<16xi32>
      %swap3A_68 = vector.shape_cast %add3A_63 : vector<16xi32> to vector<1x16xi32>
      tpu.vector_store %arg6[%swap3A_64, %swap3A_65], %swap3A_68 {strides = array<i32>} : memref<250x80xi32, #tpu.memory_space<vmem>>, vector<1x16xi32>,
      %get3A_69 = arith.index_cast %scan3A_42 : i32 to index
      %get3A_70 = arith.constant 32 : index
      %get3A_71 = tpu.vector_load %arg6[%get3A_69, %get3A_70] {strides = array<i32>} : memref<250x80xi32, #tpu.memory_space<vmem>>, vector<1x16xi32>,
      %get3A_72 = vector.shape_cast %get3A_71 : vector<1x16xi32> to vector<16xi32>
      %mul3A_73 = arith.constant 2 : i32
      %mul3A_74 = vector.broadcast %mul3A_73 : i32 to vector<16xi32>
      %mul3A_75 = arith.muli %get3A_72, %mul3A_74 : vector<16xi32>
      %add3A_76 = vector.broadcast %arg0 : i32 to vector<16xi32>
      %add3A_77 = arith.addi %mul3A_75, %add3A_76 : vector<16xi32>
      %swap3A_78 = arith.index_cast %scan3A_42 : i32 to index
      %swap3A_79 = arith.constant 32 : index
      %swap3A_80 = tpu.vector_load %arg6[%swap3A_78, %swap3A_79] {strides = array<i32>} : memref<250x80xi32, #tpu.memory_space<vmem>>, vector<1x16xi32>,
      %swap3A_81 = vector.shape_cast %swap3A_80 : vector<1x16xi32> to vector<16xi32>
      %swap3A_82 = vector.shape_cast %add3A_77 : vector<16xi32> to vector<1x16xi32>
      tpu.vector_store %arg6[%swap3A_78, %swap3A_79], %swap3A_82 {strides = array<i32>} : memref<250x80xi32, #tpu.memory_space<vmem>>, vector<1x16xi32>,
      %get3A_83 = arith.index_cast %scan3A_42 : i32 to index
      %get3A_84 = arith.constant 48 : index
      %get3A_85 = tpu.vector_load %arg6[%get3A_83, %get3A_84] {strides = array<i32>} : memref<250x80xi32, #tpu.memory_space<vmem>>, vector<1x16xi32>,
      %get3A_86 = vector.shape_cast %get3A_85 : vector<1x16xi32> to vector<16xi32>
      %mul3A_87 = arith.constant 2 : i32
      %mul3A_88 = vector.broadcast %mul3A_87 : i32 to vector<16xi32>
      %mul3A_89 = arith.muli %get3A_86, %mul3A_88 : vector<16xi32>
      %add3A_90 = vector.broadcast %arg0 : i32 to vector<16xi32>
      %add3A_91 = arith.addi %mul3A_89, %add3A_90 : vector<16xi32>
      %swap3A_92 = arith.index_cast %scan3A_42 : i32 to index
      %swap3A_93 = arith.constant 48 : index
      %swap3A_94 = tpu.vector_load %arg6[%swap3A_92, %swap3A_93] {strides = array<i32>} : memref<250x80xi32, #tpu.memory_space<vmem>>, vector<1x16xi32>,
      %swap3A_95 = vector.shape_cast %swap3A_94 : vector<1x16xi32> to vector<16xi32>
      %swap3A_96 = vector.shape_cast %add3A_91 : vector<16xi32> to vector<1x16xi32>
      tpu.vector_store %arg6[%swap3A_92, %swap3A_93], %swap3A_96 {strides = array<i32>} : memref<250x80xi32, #tpu.memory_space<vmem>>, vector<1x16xi32>,
      %get3A_97 = arith.index_cast %scan3A_42 : i32 to index
      %get3A_98 = arith.constant 64 : index
      %get3A_99 = tpu.vector_load %arg6[%get3A_97, %get3A_98] {strides = array<i32>} : memref<250x80xi32, #tpu.memory_space<vmem>>, vector<1x16xi32>,
      %get3A_100 = vector.shape_cast %get3A_99 : vector<1x16xi32> to vector<16xi32>
      %mul3A_101 = arith.constant 2 : i32
      %mul3A_102 = vector.broadcast %mul3A_101 : i32 to vector<16xi32>
      %mul3A_103 = arith.muli %get3A_100, %mul3A_102 : vector<16xi32>
      %add3A_104 = vector.broadcast %arg0 : i32 to vector<16xi32>
      %add3A_105 = arith.addi %mul3A_103, %add3A_104 : vector<16xi32>
      %swap3A_106 = arith.index_cast %scan3A_42 : i32 to index
      %swap3A_107 = arith.constant 64 : index
      %swap3A_108 = tpu.vector_load %arg6[%swap3A_106, %swap3A_107] {strides = array<i32>} : memref<250x80xi32, #tpu.memory_space<vmem>>, vector<1x16xi32>,
      %swap3A_109 = vector.shape_cast %swap3A_108 : vector<1x16xi32> to vector<16xi32>
      %swap3A_110 = vector.shape_cast %add3A_105 : vector<16xi32> to vector<1x16xi32>
      tpu.vector_store %arg6[%swap3A_106, %swap3A_107], %swap3A_110 {strides = array<i32>} : memref<250x80xi32, #tpu.memory_space<vmem>>, vector<1x16xi32>,
    }
    %scan3A_28 = arith.constant 250 : i32
    %barrier3A = arith.constant 0 : index
    tpu.barrier barrier_id(%barrier3A)
    %scan3A_29 = arith.constant 0 : i32
    %scan3A_30 = arith.constant 0 : i32
    %scan3A_31 = arith.constant 250 : i32
    %scan3A_32 = arith.addi %scan3A_30, %scan3A_31 : i32
    %scan3A_33 = arith.constant 1 : i32
    scf.for %scan3A_42 = %scan3A_30 to %scan3A_32 step %scan3A_33  : i32 {
      %dma_start3A = arith.constant 0 : i32
      %dma_start3A_43 = tpu.memref_slice %arg6[%scan3A_42, %dma_start3A] : memref<250x80xi32, #tpu.memory_space<vmem>> -> memref<1x80xi32, #tpu.memory_space<vmem>>
      %dma_start3A_44 = tpu.memref_squeeze %dma_start3A_43 : memref<1x80xi32, #tpu.memory_space<vmem>> -> memref<80xi32, #tpu.memory_space<vmem>>
      %dma_start3A_45 = arith.constant 0 : i32
      %dma_start3A_46 = arith.constant 0 : i32
      %dma_start3A_47 = tpu.memref_slice %arg2[%dma_start3A_45, %dma_start3A_46] : memref<20000x64xf32, #tpu.memory_space<hbm>> -> memref<20000x64xf32, #tpu.memory_space<hbm>>
      tpu.enqueue_indirect_dma source(%dma_start3A_47 : memref<20000x64xf32, #tpu.memory_space<hbm>>) target(%arg8 : memref<80x64xf32, #tpu.memory_space<vmem>>) offsets(%dma_start3A_44 : memref<80xi32, #tpu.memory_space<vmem>>) semaphore(%arg11 : memref<!tpu.dma_semaphore, #tpu.memory_space<semaphore_mem>>)
      %dma_wait3A = arith.constant 0 : i32
      %dma_wait3A_48 = tpu.memref_slice %arg6[%scan3A_42, %dma_wait3A] : memref<250x80xi32, #tpu.memory_space<vmem>> -> memref<1x80xi32, #tpu.memory_space<vmem>>
      %dma_wait3A_49 = tpu.memref_squeeze %dma_wait3A_48 : memref<1x80xi32, #tpu.memory_space<vmem>> -> memref<80xi32, #tpu.memory_space<vmem>>
      %dma_wait3A_50 = arith.constant 0 : i32
      %dma_wait3A_51 = arith.constant 0 : i32
      %dma_wait3A_52 = tpu.memref_slice %arg2[%dma_wait3A_50, %dma_wait3A_51] : memref<20000x64xf32, #tpu.memory_space<hbm>> -> memref<20000x64xf32, #tpu.memory_space<hbm>>
      tpu.wait_indirect_dma semaphore(%arg11 : memref<!tpu.dma_semaphore, #tpu.memory_space<semaphore_mem>>) src(%dma_wait3A_52 : memref<20000x64xf32, #tpu.memory_space<hbm>>) dst(%arg8 : memref<80x64xf32, #tpu.memory_space<vmem>>)
      "tpu.region"() ({
        %run_scoped3A = tpu.sem_alloc : memref<!tpu.dma_semaphore, #tpu.memory_space<semaphore_mem>>
        %dma_start3A_53 = arith.constant 0 : i32
        %dma_start3A_54 = tpu.memref_slice %arg7[%scan3A_42, %dma_start3A_53] : memref<250x80xi32, #tpu.memory_space<vmem>> -> memref<1x80xi32, #tpu.memory_space<vmem>>
        %dma_start3A_55 = tpu.memref_squeeze %dma_start3A_54 : memref<1x80xi32, #tpu.memory_space<vmem>> -> memref<80xi32, #tpu.memory_space<vmem>>
        %dma_start3A_56 = arith.constant 0 : i32
        %dma_start3A_57 = arith.constant 0 : i32
        %dma_start3A_58 = tpu.memref_slice %arg10[%dma_start3A_56, %dma_start3A_57] : memref<10240x64xf32, #tpu.memory_space<vmem_shared>> -> memref<10240x64xf32, #tpu.memory_space<vmem_shared>>
        tpu.enqueue_indirect_dma source(%arg8 : memref<80x64xf32, #tpu.memory_space<vmem>>) target(%dma_start3A_58 : memref<10240x64xf32, #tpu.memory_space<vmem_shared>>) offsets(%dma_start3A_55 : memref<80xi32, #tpu.memory_space<vmem>>) semaphore(%run_scoped3A : memref<!tpu.dma_semaphore, #tpu.memory_space<semaphore_mem>>) {add = true}
        %dma_wait3A_59 = arith.constant 0 : i32
        %dma_wait3A_60 = tpu.memref_slice %arg7[%scan3A_42, %dma_wait3A_59] : memref<250x80xi32, #tpu.memory_space<vmem>> -> memref<1x80xi32, #tpu.memory_space<vmem>>
        %dma_wait3A_61 = tpu.memref_squeeze %dma_wait3A_60 : memref<1x80xi32, #tpu.memory_space<vmem>> -> memref<80xi32, #tpu.memory_space<vmem>>
        %dma_wait3A_62 = arith.constant 0 : i32
        %dma_wait3A_63 = arith.constant 0 : i32
        %dma_wait3A_64 = tpu.memref_slice %arg10[%dma_wait3A_62, %dma_wait3A_63] : memref<10240x64xf32, #tpu.memory_space<vmem_shared>> -> memref<10240x64xf32, #tpu.memory_space<vmem_shared>>
        tpu.wait_indirect_dma semaphore(%run_scoped3A : memref<!tpu.dma_semaphore, #tpu.memory_space<semaphore_mem>>) src(%arg8 : memref<80x64xf32, #tpu.memory_space<vmem>>) dst(%dma_wait3A_64 : memref<10240x64xf32, #tpu.memory_space<vmem_shared>>)
        tpu.yield
      }) : () -> ()
    }
    %scan3A_34 = arith.constant 250 : i32
    %barrier3A_35 = arith.constant 0 : index
    tpu.barrier barrier_id(%barrier3A_35)
    %lt3A = arith.constant 15 : i32
    %lt3A_36 = arith.cmpi slt, %arg1, %lt3A : i32
    %convert_element_type3A = arith.extui %lt3A_36 : i1 to i32
    %cond3A = arith.constant 0 : i32
    %cond3A_37 = arith.cmpi ne, %convert_element_type3A, %cond3A : i32
    scf.if %cond3A_37 {
      %mul3A_42 = arith.constant 640 : i32
      %mul3A_43 = arith.muli %arg1, %mul3A_42 : i32
      %mul3A_44 = arith.constant 640 : i32
      %mul3A_45 = arith.muli %arg1, %mul3A_44 : i32
      "tpu.region"() ({
        %run_scoped3A = tpu.sem_alloc : memref<!tpu.dma_semaphore, #tpu.memory_space<semaphore_mem>>
        %dma_start3A = arith.constant 0 : i32
        %dma_start3A_46 = tpu.memref_slice %arg5[%arg0, %mul3A_45, %dma_start3A] : memref<2x10000x64xf32, #tpu.memory_space<hbm>> -> memref<1x640x64xf32, #tpu.memory_space<hbm>>
        %dma_start3A_47 = tpu.memref_squeeze %dma_start3A_46 : memref<1x640x64xf32, #tpu.memory_space<hbm>> -> memref<640x64xf32, #tpu.memory_space<hbm>>
        %dma_start3A_48 = arith.constant 0 : i32
        %dma_start3A_49 = tpu.memref_slice %arg10[%mul3A_43, %dma_start3A_48] : memref<10240x64xf32, #tpu.memory_space<vmem_shared>> -> memref<640x64xf32, #tpu.memory_space<vmem_shared>>
        tpu.enqueue_dma source(%dma_start3A_49 : memref<640x64xf32, #tpu.memory_space<vmem_shared>>) target(%dma_start3A_47 : memref<640x64xf32, #tpu.memory_space<hbm>>) target_semaphore(%run_scoped3A : memref<!tpu.dma_semaphore, #tpu.memory_space<semaphore_mem>>)
        %dma_wait3A = arith.constant 0 : i32
        %dma_wait3A_50 = tpu.memref_slice %arg5[%arg0, %mul3A_45, %dma_wait3A] : memref<2x10000x64xf32, #tpu.memory_space<hbm>> -> memref<1x640x64xf32, #tpu.memory_space<hbm>>
        %dma_wait3A_51 = tpu.memref_squeeze %dma_wait3A_50 : memref<1x640x64xf32, #tpu.memory_space<hbm>> -> memref<640x64xf32, #tpu.memory_space<hbm>>
        %dma_wait3A_52 = arith.constant 0 : i32
        %dma_wait3A_53 = tpu.memref_slice %arg10[%mul3A_43, %dma_wait3A_52] : memref<10240x64xf32, #tpu.memory_space<vmem_shared>> -> memref<640x64xf32, #tpu.memory_space<vmem_shared>>
        tpu.wait_dma2 semaphore(%run_scoped3A : memref<!tpu.dma_semaphore, #tpu.memory_space<semaphore_mem>>) src(%dma_wait3A_53 : memref<640x64xf32, #tpu.memory_space<vmem_shared>>) dst(%dma_wait3A_51 : memref<640x64xf32, #tpu.memory_space<hbm>>)
        tpu.yield
      }) : () -> ()
    } else {
    }
    %eq3A = arith.constant 15 : i32
    %eq3A_38 = arith.cmpi eq, %arg1, %eq3A : i32
    %convert_element_type3A_39 = arith.extui %eq3A_38 : i1 to i32
    %cond3A_40 = arith.constant 0 : i32
    %cond3A_41 = arith.cmpi ne, %convert_element_type3A_39, %cond3A_40 : i32
    scf.if %cond3A_41 {
      "tpu.region"() ({
        %run_scoped3A = tpu.sem_alloc : memref<!tpu.dma_semaphore, #tpu.memory_space<semaphore_mem>>
        %dma_start3A = arith.constant 9600 : i32
        %dma_start3A_42 = arith.constant 0 : i32
        %dma_start3A_43 = tpu.memref_slice %arg5[%arg0, %dma_start3A, %dma_start3A_42] : memref<2x10000x64xf32, #tpu.memory_space<hbm>> -> memref<1x400x64xf32, #tpu.memory_space<hbm>>
        %dma_start3A_44 = tpu.memref_squeeze %dma_start3A_43 : memref<1x400x64xf32, #tpu.memory_space<hbm>> -> memref<400x64xf32, #tpu.memory_space<hbm>>
        %dma_start3A_45 = arith.constant 9600 : i32
        %dma_start3A_46 = arith.constant 0 : i32
        %dma_start3A_47 = tpu.memref_slice %arg10[%dma_start3A_45, %dma_start3A_46] : memref<10240x64xf32, #tpu.memory_space<vmem_shared>> -> memref<400x64xf32, #tpu.memory_space<vmem_shared>>
        tpu.enqueue_dma source(%dma_start3A_47 : memref<400x64xf32, #tpu.memory_space<vmem_shared>>) target(%dma_start3A_44 : memref<400x64xf32, #tpu.memory_space<hbm>>) target_semaphore(%run_scoped3A : memref<!tpu.dma_semaphore, #tpu.memory_space<semaphore_mem>>)
        %dma_wait3A = arith.constant 9600 : i32
        %dma_wait3A_48 = arith.constant 0 : i32
        %dma_wait3A_49 = tpu.memref_slice %arg5[%arg0, %dma_wait3A, %dma_wait3A_48] : memref<2x10000x64xf32, #tpu.memory_space<hbm>> -> memref<1x400x64xf32, #tpu.memory_space<hbm>>
        %dma_wait3A_50 = tpu.memref_squeeze %dma_wait3A_49 : memref<1x400x64xf32, #tpu.memory_space<hbm>> -> memref<400x64xf32, #tpu.memory_space<hbm>>
        %dma_wait3A_51 = arith.constant 9600 : i32
        %dma_wait3A_52 = arith.constant 0 : i32
        %dma_wait3A_53 = tpu.memref_slice %arg10[%dma_wait3A_51, %dma_wait3A_52] : memref<10240x64xf32, #tpu.memory_space<vmem_shared>> -> memref<400x64xf32, #tpu.memory_space<vmem_shared>>
        tpu.wait_dma2 semaphore(%run_scoped3A : memref<!tpu.dma_semaphore, #tpu.memory_space<semaphore_mem>>) src(%dma_wait3A_53 : memref<400x64xf32, #tpu.memory_space<vmem_shared>>) dst(%dma_wait3A_50 : memref<400x64xf32, #tpu.memory_space<hbm>>)
        tpu.yield
      }) : () -> ()
    } else {
    }
    return
  }
}

module attributes {stable_mosaic.version = 14 : i64} {
  func.func @body(%arg0: i32, %arg1: memref<2x1000x64xf32, #tpu.memory_space<vmem>>, %arg2: memref<1000x1xf32, #tpu.memory_space<vmem>>, %arg3: memref<1000x128xf32, #tpu.memory_space<vmem>>, %arg4: memref<128x128xf32, #tpu.memory_space<vmem>>, %arg5: memref<1x128xf32, #tpu.memory_space<vmem>>, %arg6: memref<128x128xf32, #tpu.memory_space<vmem>>, %arg7: memref<1000x128xf32, #tpu.memory_space<vmem>>) attributes {dimension_semantics = [#tpu.dimension_semantics<arbitrary>], iteration_bounds = array<i64: 10>, scalar_prefetch = 0 : i64, scratch_operands = 0 : i64, tpu.core_type = #tpu.core_type<tc>, window_params = [{transform_indices = @transform_0, window_bounds = array<i64: 2, 1000, 64>}, {transform_indices = @transform_1, window_bounds = array<i64: 1000, 1>}, {transform_indices = @transform_2, window_bounds = array<i64: 1000, 128>}, {pipeline_mode = #tpu.pipeline_mode<synchronous>, transform_indices = @transform_3, window_bounds = array<i64: 128, 128>}, {pipeline_mode = #tpu.pipeline_mode<synchronous>, transform_indices = @transform_4, window_bounds = array<i64: 1, 128>}, {pipeline_mode = #tpu.pipeline_mode<synchronous>, transform_indices = @transform_5, window_bounds = array<i64: 128, 128>}, {transform_indices = @transform_6, window_bounds = array<i64: 1000, 128>}]} {
    %get3A = arith.constant 0 : index
    %get3A_0 = arith.constant 0 : index
    %get3A_1 = arith.constant 0 : index
    %get3A_2 = vector.load %arg1[%get3A, %get3A_0, %get3A_1] : memref<2x1000x64xf32, #tpu.memory_space<vmem>>, vector<1x1000x64xf32>
    %get3A_3 = vector.shape_cast %get3A_2 : vector<1x1000x64xf32> to vector<1000x64xf32>
    %get3A_4 = arith.constant 1 : index
    %get3A_5 = arith.constant 0 : index
    %get3A_6 = arith.constant 0 : index
    %get3A_7 = vector.load %arg1[%get3A_4, %get3A_5, %get3A_6] : memref<2x1000x64xf32, #tpu.memory_space<vmem>>, vector<1x1000x64xf32>
    %get3A_8 = vector.shape_cast %get3A_7 : vector<1x1000x64xf32> to vector<1000x64xf32>
    %concatenate3A = tpu.concatenate %get3A_3, %get3A_8 in 1 : vector<1000x64xf32>, vector<1000x64xf32> -> vector<1000x128xf32>
    %get3A_9 = arith.constant 0 : index
    %get3A_10 = arith.constant 0 : index
    %get3A_11 = vector.load %arg2[%get3A_9, %get3A_10] : memref<1000x1xf32, #tpu.memory_space<vmem>>, vector<1000x1xf32>
    %jit3A = arith.constant 1.000000e+00 : f32
    %max3A = vector.broadcast %jit3A : f32 to vector<1000x1xf32>
    %max3A_12 = arith.maximumf %max3A, %get3A_11 : vector<1000x1xf32>
    %div3A = vector.broadcast %max3A_12 : vector<1000x1xf32> to vector<1000x128xf32>
    %div3A_13 = arith.divf %concatenate3A, %div3A : vector<1000x128xf32>
    %get3A_14 = arith.constant 0 : index
    %get3A_15 = arith.constant 0 : index
    %get3A_16 = vector.load %arg4[%get3A_14, %get3A_15] : memref<128x128xf32, #tpu.memory_space<vmem>>, vector<128x128xf32>
    %dot_general3A = arith.constant dense<0.000000e+00> : vector<1000x128xf32>
    %dot_general3A_17 = tpu.matmul %div3A_13, %get3A_16, %dot_general3A {dimension_numbers = #tpu.dot_dimension_numbers<[1], [0], [0], [1], [0, 0, 1, 1], [], []>, transpose_lhs_hint = false} : vector<1000x128xf32>, vector<128x128xf32>, vector<1000x128xf32> -> vector<1000x128xf32>
    %get3A_18 = arith.constant 0 : index
    %get3A_19 = arith.constant 0 : index
    %get3A_20 = vector.load %arg5[%get3A_18, %get3A_19] : memref<1x128xf32, #tpu.memory_space<vmem>>, vector<1x128xf32>
    %add3A = vector.broadcast %get3A_20 : vector<1x128xf32> to vector<1000x128xf32>
    %add3A_21 = arith.addf %dot_general3A_17, %add3A : vector<1000x128xf32>
    %get3A_22 = arith.constant 0 : index
    %get3A_23 = arith.constant 0 : index
    %get3A_24 = vector.load %arg3[%get3A_22, %get3A_23] : memref<1000x128xf32, #tpu.memory_space<vmem>>, vector<1000x128xf32>
    %get3A_25 = arith.constant 0 : index
    %get3A_26 = arith.constant 0 : index
    %get3A_27 = vector.load %arg6[%get3A_25, %get3A_26] : memref<128x128xf32, #tpu.memory_space<vmem>>, vector<128x128xf32>
    %dot_general3A_28 = arith.constant dense<0.000000e+00> : vector<1000x128xf32>
    %dot_general3A_29 = tpu.matmul %get3A_24, %get3A_27, %dot_general3A_28 {dimension_numbers = #tpu.dot_dimension_numbers<[1], [0], [0], [1], [0, 0, 1, 1], [], []>, transpose_lhs_hint = false} : vector<1000x128xf32>, vector<128x128xf32>, vector<1000x128xf32> -> vector<1000x128xf32>
    %add3A_30 = arith.addf %add3A_21, %dot_general3A_29 : vector<1000x128xf32>
    %max3A_31 = arith.constant 0.000000e+00 : f32
    %max3A_32 = vector.broadcast %max3A_31 : f32 to vector<1000x128xf32>
    %max3A_33 = arith.maximumf %add3A_30, %max3A_32 : vector<1000x128xf32>
    %swap3A = arith.constant 0 : index
    %swap3A_34 = arith.constant 0 : index
    %swap3A_35 = vector.load %arg7[%swap3A, %swap3A_34] : memref<1000x128xf32, #tpu.memory_space<vmem>>, vector<1000x128xf32>
    tpu.vector_store %arg7[%swap3A, %swap3A_34], %max3A_33 {strides = array<i32>} : memref<1000x128xf32, #tpu.memory_space<vmem>>, vector<1000x128xf32>,
    return
  }
  func.func @transform_0(%arg0: i32) -> (i32, i32, i32) {
    %c0_i32 = arith.constant 0 : i32
    %c0_i32_0 = arith.constant 0 : i32
    %c0_i32_1 = arith.constant 0 : i32
    return %c0_i32, %arg0, %c0_i32_0 : i32, i32, i32
  }
  func.func @transform_1(%arg0: i32) -> (i32, i32) {
    %c0_i32 = arith.constant 0 : i32
    %c0_i32_0 = arith.constant 0 : i32
    return %arg0, %c0_i32 : i32, i32
  }
  func.func @transform_2(%arg0: i32) -> (i32, i32) {
    %c0_i32 = arith.constant 0 : i32
    %c0_i32_0 = arith.constant 0 : i32
    return %arg0, %c0_i32 : i32, i32
  }
  func.func @transform_3(%arg0: i32) -> (i32, i32) {
    %c0_i32 = arith.constant 0 : i32
    %c0_i32_0 = arith.constant 0 : i32
    %c0_i32_1 = arith.constant 0 : i32
    return %c0_i32, %c0_i32_0 : i32, i32
  }
  func.func @transform_4(%arg0: i32) -> (i32, i32) {
    %c0_i32 = arith.constant 0 : i32
    %c0_i32_0 = arith.constant 0 : i32
    %c0_i32_1 = arith.constant 0 : i32
    return %c0_i32, %c0_i32_0 : i32, i32
  }
  func.func @transform_5(%arg0: i32) -> (i32, i32) {
    %c0_i32 = arith.constant 0 : i32
    %c0_i32_0 = arith.constant 0 : i32
    %c0_i32_1 = arith.constant 0 : i32
    return %c0_i32, %c0_i32_0 : i32, i32
  }
  func.func @transform_6(%arg0: i32) -> (i32, i32) {
    %c0_i32 = arith.constant 0 : i32
    %c0_i32_0 = arith.constant 0 : i32
    return %arg0, %c0_i32 : i32, i32
  }
}

module attributes {stable_mosaic.version = 14 : i64} {
  func.func @body(%arg0: i32, %arg1: memref<2x1000x64xf32, #tpu.memory_space<vmem>>, %arg2: memref<1000x1xf32, #tpu.memory_space<vmem>>, %arg3: memref<1000x128xf32, #tpu.memory_space<vmem>>, %arg4: memref<128x128xf32, #tpu.memory_space<vmem>>, %arg5: memref<1x128xf32, #tpu.memory_space<vmem>>, %arg6: memref<128x128xf32, #tpu.memory_space<vmem>>, %arg7: memref<1x128xf32, #tpu.memory_space<vmem>>, %arg8: memref<1x128xf32, #tpu.memory_space<vmem>>, %arg9: memref<1000x128xf32, #tpu.memory_space<vmem>>) attributes {dimension_semantics = [#tpu.dimension_semantics<arbitrary>], iteration_bounds = array<i64: 10>, scalar_prefetch = 0 : i64, scratch_operands = 0 : i64, tpu.core_type = #tpu.core_type<tc>, window_params = [{transform_indices = @transform_0, window_bounds = array<i64: 2, 1000, 64>}, {transform_indices = @transform_1, window_bounds = array<i64: 1000, 1>}, {transform_indices = @transform_2, window_bounds = array<i64: 1000, 128>}, {pipeline_mode = #tpu.pipeline_mode<synchronous>, transform_indices = @transform_3, window_bounds = array<i64: 128, 128>}, {pipeline_mode = #tpu.pipeline_mode<synchronous>, transform_indices = @transform_4, window_bounds = array<i64: 1, 128>}, {pipeline_mode = #tpu.pipeline_mode<synchronous>, transform_indices = @transform_5, window_bounds = array<i64: 128, 128>}, {pipeline_mode = #tpu.pipeline_mode<synchronous>, transform_indices = @transform_6, window_bounds = array<i64: 1, 128>}, {pipeline_mode = #tpu.pipeline_mode<synchronous>, transform_indices = @transform_7, window_bounds = array<i64: 1, 128>}, {transform_indices = @transform_8, window_bounds = array<i64: 1000, 128>}]} {
    %get3A = arith.constant 0 : index
    %get3A_0 = arith.constant 0 : index
    %get3A_1 = arith.constant 0 : index
    %get3A_2 = vector.load %arg1[%get3A, %get3A_0, %get3A_1] : memref<2x1000x64xf32, #tpu.memory_space<vmem>>, vector<1x1000x64xf32>
    %get3A_3 = vector.shape_cast %get3A_2 : vector<1x1000x64xf32> to vector<1000x64xf32>
    %get3A_4 = arith.constant 1 : index
    %get3A_5 = arith.constant 0 : index
    %get3A_6 = arith.constant 0 : index
    %get3A_7 = vector.load %arg1[%get3A_4, %get3A_5, %get3A_6] : memref<2x1000x64xf32, #tpu.memory_space<vmem>>, vector<1x1000x64xf32>
    %get3A_8 = vector.shape_cast %get3A_7 : vector<1x1000x64xf32> to vector<1000x64xf32>
    %concatenate3A = tpu.concatenate %get3A_3, %get3A_8 in 1 : vector<1000x64xf32>, vector<1000x64xf32> -> vector<1000x128xf32>
    %get3A_9 = arith.constant 0 : index
    %get3A_10 = arith.constant 0 : index
    %get3A_11 = vector.load %arg2[%get3A_9, %get3A_10] : memref<1000x1xf32, #tpu.memory_space<vmem>>, vector<1000x1xf32>
    %jit3A = arith.constant 1.000000e+00 : f32
    %max3A = vector.broadcast %jit3A : f32 to vector<1000x1xf32>
    %max3A_12 = arith.maximumf %max3A, %get3A_11 : vector<1000x1xf32>
    %div3A = vector.broadcast %max3A_12 : vector<1000x1xf32> to vector<1000x128xf32>
    %div3A_13 = arith.divf %concatenate3A, %div3A : vector<1000x128xf32>
    %get3A_14 = arith.constant 0 : index
    %get3A_15 = arith.constant 0 : index
    %get3A_16 = vector.load %arg4[%get3A_14, %get3A_15] : memref<128x128xf32, #tpu.memory_space<vmem>>, vector<128x128xf32>
    %dot_general3A = arith.constant dense<0.000000e+00> : vector<1000x128xf32>
    %dot_general3A_17 = tpu.matmul %div3A_13, %get3A_16, %dot_general3A {dimension_numbers = #tpu.dot_dimension_numbers<[1], [0], [0], [1], [0, 0, 1, 1], [], []>, transpose_lhs_hint = false} : vector<1000x128xf32>, vector<128x128xf32>, vector<1000x128xf32> -> vector<1000x128xf32>
    %get3A_18 = arith.constant 0 : index
    %get3A_19 = arith.constant 0 : index
    %get3A_20 = vector.load %arg5[%get3A_18, %get3A_19] : memref<1x128xf32, #tpu.memory_space<vmem>>, vector<1x128xf32>
    %add3A = vector.broadcast %get3A_20 : vector<1x128xf32> to vector<1000x128xf32>
    %add3A_21 = arith.addf %dot_general3A_17, %add3A : vector<1000x128xf32>
    %get3A_22 = arith.constant 0 : index
    %get3A_23 = arith.constant 0 : index
    %get3A_24 = vector.load %arg3[%get3A_22, %get3A_23] : memref<1000x128xf32, #tpu.memory_space<vmem>>, vector<1000x128xf32>
    %get3A_25 = arith.constant 0 : index
    %get3A_26 = arith.constant 0 : index
    %get3A_27 = vector.load %arg6[%get3A_25, %get3A_26] : memref<128x128xf32, #tpu.memory_space<vmem>>, vector<128x128xf32>
    %dot_general3A_28 = arith.constant dense<0.000000e+00> : vector<1000x128xf32>
    %dot_general3A_29 = tpu.matmul %get3A_24, %get3A_27, %dot_general3A_28 {dimension_numbers = #tpu.dot_dimension_numbers<[1], [0], [0], [1], [0, 0, 1, 1], [], []>, transpose_lhs_hint = false} : vector<1000x128xf32>, vector<128x128xf32>, vector<1000x128xf32> -> vector<1000x128xf32>
    %add3A_30 = arith.addf %add3A_21, %dot_general3A_29 : vector<1000x128xf32>
    %max3A_31 = arith.constant 0.000000e+00 : f32
    %max3A_32 = vector.broadcast %max3A_31 : f32 to vector<1000x128xf32>
    %max3A_33 = arith.maximumf %add3A_30, %max3A_32 : vector<1000x128xf32>
    %reduce_sum3A = arith.constant dense<0.000000e+00> : vector<1000xf32>
    %reduce_sum3A_34 = vector.multi_reduction <add>, %max3A_33, %reduce_sum3A [1] : vector<1000x128xf32> to vector<1000xf32>
    %broadcast_in_dim3A = vector.shape_cast %reduce_sum3A_34 : vector<1000xf32> to vector<1000x1xf32>
    %div3A_35 = arith.constant 1.280000e+02 : f32
    %div3A_36 = vector.broadcast %div3A_35 : f32 to vector<1000x1xf32>
    %div3A_37 = arith.divf %broadcast_in_dim3A, %div3A_36 : vector<1000x1xf32>
    %sub3A = vector.broadcast %div3A_37 : vector<1000x1xf32> to vector<1000x128xf32>
    %sub3A_38 = arith.subf %max3A_33, %sub3A : vector<1000x128xf32>
    %integer_pow3A = arith.mulf %sub3A_38, %sub3A_38 : vector<1000x128xf32>
    %reduce_sum3A_39 = arith.constant dense<0.000000e+00> : vector<1000xf32>
    %reduce_sum3A_40 = vector.multi_reduction <add>, %integer_pow3A, %reduce_sum3A_39 [1] : vector<1000x128xf32> to vector<1000xf32>
    %broadcast_in_dim3A_41 = vector.shape_cast %reduce_sum3A_40 : vector<1000xf32> to vector<1000x1xf32>
    %div3A_42 = arith.constant 1.280000e+02 : f32
    %div3A_43 = vector.broadcast %div3A_42 : f32 to vector<1000x1xf32>
    %div3A_44 = arith.divf %broadcast_in_dim3A_41, %div3A_43 : vector<1000x1xf32>
    %sub3A_45 = vector.broadcast %div3A_37 : vector<1000x1xf32> to vector<1000x128xf32>
    %sub3A_46 = arith.subf %max3A_33, %sub3A_45 : vector<1000x128xf32>
    %add3A_47 = arith.constant 9.99999974E-6 : f32
    %add3A_48 = vector.broadcast %add3A_47 : f32 to vector<1000x1xf32>
    %add3A_49 = arith.addf %div3A_44, %add3A_48 : vector<1000x1xf32>
    %sqrt3A = math.sqrt %add3A_49 : vector<1000x1xf32>
    %div3A_50 = vector.broadcast %sqrt3A : vector<1000x1xf32> to vector<1000x128xf32>
    %div3A_51 = arith.divf %sub3A_46, %div3A_50 : vector<1000x128xf32>
    %get3A_52 = arith.constant 0 : index
    %get3A_53 = arith.constant 0 : index
    %get3A_54 = vector.load %arg7[%get3A_52, %get3A_53] : memref<1x128xf32, #tpu.memory_space<vmem>>, vector<1x128xf32>
    %mul3A = vector.broadcast %get3A_54 : vector<1x128xf32> to vector<1000x128xf32>
    %mul3A_55 = arith.mulf %div3A_51, %mul3A : vector<1000x128xf32>
    %get3A_56 = arith.constant 0 : index
    %get3A_57 = arith.constant 0 : index
    %get3A_58 = vector.load %arg8[%get3A_56, %get3A_57] : memref<1x128xf32, #tpu.memory_space<vmem>>, vector<1x128xf32>
    %add3A_59 = vector.broadcast %get3A_58 : vector<1x128xf32> to vector<1000x128xf32>
    %add3A_60 = arith.addf %mul3A_55, %add3A_59 : vector<1000x128xf32>
    %swap3A = arith.constant 0 : index
    %swap3A_61 = arith.constant 0 : index
    %swap3A_62 = vector.load %arg9[%swap3A, %swap3A_61] : memref<1000x128xf32, #tpu.memory_space<vmem>>, vector<1000x128xf32>
    tpu.vector_store %arg9[%swap3A, %swap3A_61], %add3A_60 {strides = array<i32>} : memref<1000x128xf32, #tpu.memory_space<vmem>>, vector<1000x128xf32>,
    return
  }
  func.func @transform_0(%arg0: i32) -> (i32, i32, i32) {
    %c0_i32 = arith.constant 0 : i32
    %c0_i32_0 = arith.constant 0 : i32
    %c0_i32_1 = arith.constant 0 : i32
    return %c0_i32, %arg0, %c0_i32_0 : i32, i32, i32
  }
  func.func @transform_1(%arg0: i32) -> (i32, i32) {
    %c0_i32 = arith.constant 0 : i32
    %c0_i32_0 = arith.constant 0 : i32
    return %arg0, %c0_i32 : i32, i32
  }
  func.func @transform_2(%arg0: i32) -> (i32, i32) {
    %c0_i32 = arith.constant 0 : i32
    %c0_i32_0 = arith.constant 0 : i32
    return %arg0, %c0_i32 : i32, i32
  }
  func.func @transform_3(%arg0: i32) -> (i32, i32) {
    %c0_i32 = arith.constant 0 : i32
    %c0_i32_0 = arith.constant 0 : i32
    %c0_i32_1 = arith.constant 0 : i32
    return %c0_i32, %c0_i32_0 : i32, i32
  }
  func.func @transform_4(%arg0: i32) -> (i32, i32) {
    %c0_i32 = arith.constant 0 : i32
    %c0_i32_0 = arith.constant 0 : i32
    %c0_i32_1 = arith.constant 0 : i32
    return %c0_i32, %c0_i32_0 : i32, i32
  }
  func.func @transform_5(%arg0: i32) -> (i32, i32) {
    %c0_i32 = arith.constant 0 : i32
    %c0_i32_0 = arith.constant 0 : i32
    %c0_i32_1 = arith.constant 0 : i32
    return %c0_i32, %c0_i32_0 : i32, i32
  }
  func.func @transform_6(%arg0: i32) -> (i32, i32) {
    %c0_i32 = arith.constant 0 : i32
    %c0_i32_0 = arith.constant 0 : i32
    %c0_i32_1 = arith.constant 0 : i32
    return %c0_i32, %c0_i32_0 : i32, i32
  }
  func.func @transform_7(%arg0: i32) -> (i32, i32) {
    %c0_i32 = arith.constant 0 : i32
    %c0_i32_0 = arith.constant 0 : i32
    %c0_i32_1 = arith.constant 0 : i32
    return %c0_i32, %c0_i32_0 : i32, i32
  }
  func.func @transform_8(%arg0: i32) -> (i32, i32) {
    %c0_i32 = arith.constant 0 : i32
    %c0_i32_0 = arith.constant 0 : i32
    return %arg0, %c0_i32 : i32, i32
  }
}

</mosaic_0001>

<sc_bundles>
// kernel: kernel.10.cloned.1.call-start
scs
__scs_entry_jumppad:
0x0: {  	(pc) =	sbr.rel $0x88, $3  }
0x1: {  	(tag) =	ssettag $0x0;
	lr =	simm.s32 $0x1  }
0x2: {  	[smem:$0x3F97] =	sst lr;
	_ =	strace $0xD0000000  }
0x3: {  	_ = 	snop  }
0x4: {  	_ = 	snop  }
0x5: {  	_ = 	snop  }
0x6: {  	_ = 	snop  }
0x7: {  	_ = 	snop  }
__scs_overlays_trampoline_lowered:
0x8: {  	[smem:$0x3FA6] =	sst s0  }
0x9: {  	[smem:$0x3FA7] =	sst s1  }
0xa: {  	[smem:$0x3FA8] =	sst s2  }
0xb: {  	[smem:$0x3FA9] =	sst s3  }
0xc: {  	[smem:$0x3FAA] =	sst s4  }
0xd: {  	[smem:$0x3FAB] =	sst s5  }
0xe: {  	[smem:$0x3FAC] =	sst s6  }
0xf: {  	[smem:$0x3FAD] =	sst s7  }
0x10: {  	[smem:$0x3FAE] =	sst s8  }
0x11: {  	[smem:$0x3FAF] =	sst s9;
	s0 =	simm.s32 @!p0 $0x0  }
0x12: {  	s1 =	sld [smem:$0x3F95];
	s0 =	simm.s32 @p0 $0x1  }
0x13: {  	[smem:$0x3FB0] =	sst s0;
	s0 =	simm.s32 @!p1 $0x0  }
0x14: {  	s2 =	sld [smem:$0x3F94];
	s0 =	simm.s32 @p1 $0x1  }
0x15: {  	[smem:$0x3FB1] =	sst s0;
	s0 =	simm.s32 @!p2 $0x0  }
0x16: {  	s3 =	sld [smem:$0x3FDB];
	s0 =	simm.s32 @p2 $0x1  }
0x17: {  	s4 =	simm.s32 $0x1BF5;
	[smem:$0x3FB3] =	sst s0  }
0x18: {  	s0 =	sld [smem:$0x3F96];
	_ =	swait.ge [sflag:s4], $0x0  }
0x19: {  	s7 =	sld [smem:$0x3F97]  }
0x1a: {  	s8 =	sadd.s32 $0xFFFFE003, lr  }
0x1b: {  	s9 =	sadd.s32 $0xFFFFFEF7, lr;
	s5 =	simm.s32 $0xFFFFFFFF;
	p2 =	slt.u32 s8, $0xFFFFF086  }
0x1c: {  	p1 =	slt.u32 s9, $0xF7A;
	s5 =	simm.s32 @!p2 $0x0  }
0x1d: {  	s5 =	simm.s32 @p1 $0x1;
	p0 =	seq.s32 s7, s2  }
0x1e: {  	s7 =	smul.u32 @!p0 $0xF7A, s2;
	p2 =	seq.s32 @!p0 s5, $0x0  }
0x1f: {  	s9 =	smul.u32 $0xF7A, s1;
	s8 =	simm.s32 @!p0 $0x1BF5;
	p2 =	por !p2, p0  }
0x20: {  	[sflag:s8] =	ssyncset.s32 @!p0 $0xFFFFF086;
	s6 =	sadd.s32 @!p0 s3, s7;
	s7 =	simm.s32 @!p0 $0x108  }
0x21: {  	s3 =	sadd.s32 s3, s9;
	s6 =	sadd.s32 @!p0 $0x88, s6;
	s7 =	simm.s32 @p2 $0x1082  }
0x22: {  	[simem:s7], [sflag:s8] =	dma.local @!p0 [hbm:s6], $0xF7A  }
0x23: {  	s9 =	sor.u32 $0xD0000000, s2;
	s6 =	simm.s32 $0x108;
	_ =	swait.ge @!p0 [sflag:s8], $0x0  }
0x24: {  	s3 =	sadd.s32 $0x88, s3;
	s6 =	simm.s32 @!p1 $0x1082;
	[sflag:s4] =	ssyncset.s32 $0xFFFFF086  }
0x25: {  	[simem:s6], [sflag:s4] =	dma.local [hbm:s3], $0xF7A  }
0x26: {  	[smem:$0x3F97] =	sst s1;
	(tag) =	ssettag s2;
	_ =	strace s9  }
0x27: {  	s1 =	sld [smem:$0x3FA7]  }
0x28: {  	s2 =	sld [smem:$0x3FA8]  }
0x29: {  	s4 =	sld [smem:$0x3FAA]  }
0x2a: {  	p0 =	seq.s32 s5, $0x0;
	s5 =	sld [smem:$0x3FAB]  }
0x2b: {  	s6 =	sld [smem:$0x3FAC]  }
0x2c: {  	s7 =	sld [smem:$0x3FAD]  }
0x2d: {  	s3 =	simm.s32 $0x108;
	s8 =	sld [smem:$0x3FAE]  }
0x2e: {  	s3 =	simm.s32 @!p0 $0x1082;
	s9 =	sld [smem:$0x3FAF]  }
0x2f: {  	lr =	sadd.s32 s0, s3;
	s0 =	sld [smem:$0x3FA6]  }
0x30: {  	s3 =	sld [smem:$0x3FA9]  }
0x31: {  	[smem:$0x3FB2] =	sst s10  }
0x32: {  	s10 =	sld [smem:$0x3FB0];
	_ =	sdelay $0x3  }
0x33: {  	p0 =	seq.s32 s10, $0x1;
	s10 =	sld [smem:$0x3FB2];
	_ =	sdelay $0x3  }
0x34: {  	[smem:$0x3FB2] =	sst s10  }
0x35: {  	s10 =	sld [smem:$0x3FB1];
	_ =	sdelay $0x3  }
0x36: {  	p1 =	seq.s32 s10, $0x1;
	s10 =	sld [smem:$0x3FB2];
	_ =	sdelay $0x3  }
0x37: {  	[smem:$0x3FB2] =	sst s10  }
0x38: {  	s10 =	sld [smem:$0x3FB3]  }
0x39: {  	_ = 	snop;
	(pc) =	sbr.ind lr, $3  }
0x3a: {  	_ = 	snop  }
0x3b: {  	_ = 	snop  }
0x3c: {  	p2 =	seq.s32 s10, $0x1;
	s10 =	sld [smem:$0x3FB2]  }
0x3d: {  	_ =	shalt  }
0x3e: {  	_ =	shalt  }
0x3f: {  	_ =	shalt  }
0x40: {  	_ =	shalt  }
0x41: {  	_ =	shalt  }
0x42: {  	_ =	shalt  }
0x43: {  	_ =	shalt  }
0x44: {  	_ =	shalt  }
0x45: {  	_ =	shalt  }
0x46: {  	_ =	shalt  }
0x47: {  	_ =	shalt  }
0x48: {  	_ =	shalt  }
0x49: {  	_ =	shalt  }
0x4a: {  	_ =	shalt  }
0x4b: {  	_ =	shalt  }
0x4c: {  	_ =	shalt  }
0x4d: {  	_ =	shalt  }
0x4e: {  	_ =	shalt  }
0x4f: {  	_ =	shalt  }
0x50: {  	_ =	shalt  }
0x51: {  	_ =	shalt  }
0x52: {  	_ =	shalt  }
0x53: {  	_ =	shalt  }
0x54: {  	_ =	shalt  }
0x55: {  	_ =	shalt  }
0x56: {  	_ =	shalt  }
0x57: {  	_ =	shalt  }
0x58: {  	_ =	shalt  }
0x59: {  	_ =	shalt  }
0x5a: {  	_ =	shalt  }
0x5b: {  	_ =	shalt  }
0x5c: {  	_ =	shalt  }
0x5d: {  	_ =	shalt  }
0x5e: {  	_ =	shalt  }
0x5f: {  	_ =	shalt  }
0x60: {  	_ =	shalt  }
0x61: {  	_ =	shalt  }
0x62: {  	_ =	shalt  }
0x63: {  	_ =	shalt  }
0x64: {  	_ =	shalt  }
0x65: {  	_ =	shalt  }
0x66: {  	_ =	shalt  }
0x67: {  	_ =	shalt  }
0x68: {  	_ =	shalt  }
0x69: {  	_ =	shalt  }
0x6a: {  	_ =	shalt  }
0x6b: {  	_ =	shalt  }
0x6c: {  	_ =	shalt  }
0x6d: {  	_ =	shalt  }
0x6e: {  	_ =	shalt  }
0x6f: {  	_ =	shalt  }
0x70: {  	_ =	shalt  }
0x71: {  	_ =	shalt  }
0x72: {  	_ =	shalt  }
0x73: {  	_ =	shalt  }
0x74: {  	_ =	shalt  }
0x75: {  	_ =	shalt  }
0x76: {  	_ =	shalt  }
0x77: {  	_ =	shalt  }
0x78: {  	_ =	shalt  }
0x79: {  	_ =	shalt  }
0x7a: {  	_ =	shalt  }
0x7b: {  	_ =	shalt  }
0x7c: {  	_ =	shalt  }
0x7d: {  	_ =	shalt  }
0x7e: {  	_ =	shalt  }
0x7f: {  	_ =	shalt  }
0x80: {  	_ =	shalt  }
0x81: {  	_ =	shalt  }
0x82: {  	_ =	shalt  }
0x83: {  	_ =	shalt  }
0x84: {  	_ =	shalt  }
0x85: {  	_ =	shalt  }
0x86: {  	_ =	shalt  }
0x87: {  	_ =	shalt  }
.Lfunc_end0:
.L_simem_size_0:
called_computation.1_lowered:
.L_overlay_start_0:
0x88: {  	s2 =	sld [smem:$0x3FD9]  }
0x89: {  	s3 =	sld [smem:$0x3FFE];
	_ =	sdelay $0x1  }
0x8a: {  	s1 =	srdreg.scid  }
0x8b: {  	s0 =	sand.u32 $0x1, s1  }
0x8c: {  	s17 =	sshll.u32 s0, $0xA;
	s2 =	sadd.s32 s3, s2  }
0x8d: {  	s2 =	sadd.s32 s2, s17  }
0x8e: {  	[smem:$0x3FBE] =	sst s2  }
0x8f: {  	_ = 	snop  }
0x90: {  	s2 =	sld [smem:$0x3FC9]  }
0x91: {  	s18 =	sld [smem:$0x3FD0];
	(tm) =	ssettm $0x1  }
0x92: {  	s4 =	sld [smem:$0x3FFB];
	_ =	sdelay $0x3  }
0x93: {  	_ =	strace s4  }
0x94: {  	s4 =	sld [smem:$0x3FFC];
	_ =	sdelay $0x3  }
0x95: {  	_ =	strace s4  }
0x96: {  	s4 =	sld [smem:$0x3FFD];
	_ =	sdelay $0x3  }
0x97: {  	_ =	strace s4  }
0x98: {  	_ =	strace $0x8FFFFFFF  }
0x99: {  	s19 =	sld [smem:$0x3FDB];
	_ =	sdelay $0x1  }
0x9a: {  	s5 =	simm.s32 $_scs_section_size  }
0x9b: {  	s6 =	simm.s32 $_size__tile_overlayer_lowered;
	s7 =	simm.s32 $_tile_overlayer_lowered  }
0x9c: {  	s22 =	simm.s32 $0x1BFF;
	s21 =	sshll.u32 s7, $0x1;
	s4 =	sadd.s32 s5, s19  }
0x9d: {  	s8 =	simm.s32 $0x0;
	s20 =	sshll.u32 s6, $0x1;
	s6 =	sadd.s32 s21, s4  }
0x9e: {  	[timem:s8], [sflag:s22] =	dma.local [hbm:s6], s20  }
0x9f: {  	_ =	swait.ge [sflag:s22], s20  }
0xa0: {  	s5 =	ssub.s32 $0x0, s20;
	[sflag:s22] =	ssyncset.done $0x0  }
0xa1: {  	[sflag:s22] =	ssyncadd.s32 s5;
	_ =	sdelay $0x1  }
0xa2: {  	s23 =	simm.s32 $0x1B8B  }
0xa3: {  	_ =	swait.ge [sflag:s23], $0x1  }
0xa4: {  	[sflag:s23] =	ssyncset.done $0x0  }
0xa5: {  	s25 =	simm.s32 $0x1B8E;
	s24 =	sld [smem:$0x3FFE];
	[sflag:s23] =	ssyncadd.s32 $0xFFFFFFFF  }
0xa6: {  	s26 =	simm.s32 $execute0_lowered;
	[smem:$0x3FD2] =	sst s25  }
0xa7: {  	s6 =	sshll.u32 s26, $0x1;
	_ =	strace $0x80000046;
	[dreg:$0x1] =	wrdreg $0xFFFFFFFF  }
0xa8: {  	s28 =	simm.s32 $_size_execute0_lowered;
	s4 =	sadd.s32 s4, s6;
	[dreg:$0x0] =	wrdreg $0x0  }
0xa9: {  	s6 =	sshll.u32 s28, $0x1;
	[dreg:$0x2] =	wrdreg s4  }
0xaa: {  	[dreg:$0x3] =	wrdreg s6  }
0xab: {  	[dreg:$0x4] =	wrdreg $0xC0  }
0xac: {  	_ =	task [dreg:s8], $0x5FFFF  }
0xad: {  	[dreg:$0x1] =	wrdreg $0xFFFFFFFF  }
0xae: {  	[dreg:$0x0] =	wrdreg $0x60  }
0xaf: {  	[dreg:$0x2] =	wrdreg s2  }
0xb0: {  	[dreg:$0x3] =	wrdreg s24  }
0xb1: {  	[dreg:$0x4] =	wrdreg s18  }
0xb2: {  	[dreg:$0x5] =	wrdreg $0xD0400  }
0xb3: {  	[dreg:$0x6] =	wrdreg $0xA  }
0xb4: {  	_ =	task.clear_ibuf [dreg:s8], $0x7FFFF;
	_ =	strace $0x90000046  }
0xb5: {  	s29 =	simm.s32 $0xA;
	_ =	strace $0x80000048  }
0xb6: {  	_ =	swait.ge [sflag:s29], $0x1  }
0xb7: {  	[sflag:s29] =	ssyncadd.s32 $0xFFFFFFFF  }
0xb8: {  	_ =	strace $0x90000048  }
0xb9: {  	_ =	sfence  }
0xba: {  	s30 =	sld [smem:$0x0];
	_ =	sdelay $0x2  }
0xbb: {  	s31 =	sshll.u32 s1, $0xD;
	s1 =	sshrl.u32 s1, $0x2  }
0xbc: {  	s3 =	sand.u32 $0x4000, s31;
	s1 =	sadd.s32 s1, s30  }
0xbd: {  	s0 =	sor.u32 s3, s0;
	s1 =	sshll.u32 s1, $0x11  }
0xbe: {  	s0 =	sor.u32 s1, s0  }
0xbf: {  	s0 =	sadd.s32 $0x8F2B, s0  }
0xc0: {  	[sflag:s0] =	ssyncadd.remote.s32 $0x1  }
0xc1: {  	_ =	sfence.sel $0xFFFF  }
0xc2: {  	[dreg:$0x0] =	wrdreg $0xFFFFFFFF;
	(pc) =	sbr.abs _section_cstart, $3  }
0xc3: {  	[dreg:$0x1] =	wrdreg $0xFFFFFFFF  }
0xc4: {  	_ =	task.clear_ibuf [dreg:s8], $0x2FFFF;
	_ =	strace $0x9FFFFFFF  }
0xc5: {  	(tm) =	ssettm $0x7FFFFFFF  }
tec
execute0_lowered:
.L_overlay_start_1:
0x0: {  	(tag) =	ssettag $0x1  }
0x1: {  	s1 =	rddreg [dreg:$0x0]  }
0x2: {  	s5 =	rddreg [dreg:$0x1]  }
0x3: {  	s12 =	rddreg [dreg:$0x2]  }
0x4: {  	s3 =	rddreg [dreg:$0x3]  }
0x5: {  	s0 =	rddreg [dreg:$0x4]  }
0x6: {  	s4 =	simm.s32 $0x0;
	s2 =	stileid.u32;
	s6 =	srdreg.scid  }
0x7: {  	s17 =	simm.s32 $0x4E20;
	s18 =	simm.s32 $0x50;
	s29 =	smul.u32 $0x28000, s2  }
0x8: {  	s20 =	simm.s32 $0x1;
	[smem:$0x7FF] =	sst s4;
	s7 =	smul.u32 $0x9C4, s2  }
0x9: {  	s19 =	sand.u32 $0x1, s6;
	s11 =	smul.u32 $0xA000, s2;
	s21 =	sadd.s32 $0x96000, s3  }
0xa: {  	p0 =	seq.s32 s2, $0xF;
	_ =	strace $0x80000047;
	s8 =	ssub.s32 $0x2, s19  }
0xb: {  	s15 =	smul.u32 $0x9C400, s19;
	v0 =	vmov s19;
	s19 =	simm.s32 $0x9C40;
	s21 =	sshrl.u32 @p0 s21, $0x3  }
0xc: {  	s9 =	sshrl.u32 s8, $0x1;
	s6 =	sshrl.u32 s29, $0x2;
	s13 =	sadd.s32 s7, s5  }
0xd: {  	s5 =	sadd.s32 s11, s3;
	s14 =	ssub.s32 s8, s9;
	s30 =	sadd.s32 s6, s3  }
0xe: {  	s10 =	sadd.s32 $0xC600, s13;
	s16 =	sadd.s32 s11, s15;
	s15 =	sshrl.u32 s15, $0x3  }
0xf: {  	s11 =	sadd.s32 $0x2800, s13;
	s6 =	sadd.s32 $0x2000, s30;
	s7 =	sadd.s32 $0x4000, s30  }
0x10: {  	s8 =	sadd.s32 $0x6000, s30;
	s9 =	sadd.s32 $0x8000, s30;
	s31 =	sshrl.u32 s16, $0x3  }
0x11: {  	s15 =	sadd.s32 s12, s15;
	s14 =	smax.u32 s14, $0x1;
	s16 =	simm.s32 $0x2  }
0x12: {  	v1 =	vimm.f32 $0.0e+00;
	s12 =	sadd.s32 s12, s31;
	s13 =	sadd.s32 $0x12C00, s15;
	s15 =	simm.s32 $0xB040  }
.LBB2_1:
0x13: {  	s23 =	simm.s32 $0x100;
	s22 =	simm.s32 $0x0  }
.LBB2_2:
0x14: {  	p1 =	sne.s32 s23, $0x7F00;
	[tilespmem:s22+$0xB070] =	vst v1;
	s24 =	smov.u32 s23;
	s23 =	sadd.s32 $0x100, s23  }
.Ltmp0:
0x15: {  	[tilespmem:s22+$0xB060] =	vst v1;
	(pc) =	sbr.rel @p1 .LBB2_2-.Ltmp0, $3  }
0x16: {  	[tilespmem:s22+$0xB040] =	vst v1  }
0x17: {  	[tilespmem:s22+$0xB050] =	vst v1;
	_ =	sdelay $0x1  }
0x18: {  	s22 =	sshra.s32 s24, $0x2  }
0x19: {  	[tilespmem:s22+$0xB070] =	vst v1  }
0x1a: {  	[tilespmem:s22+$0xB060] =	vst v1  }
0x1b: {  	[tilespmem:s22+$0xB040] =	vst v1  }
0x1c: {  	[tilespmem:s22+$0xB050] =	vst v1  }
0x1d: {  	[spmem:s5] =	stream.linear.scatter [tilespmem:s15], [sflag:$0x2], $0x2000, $0x38;
	[tilespmem:$0x17040] =	vst v63  }
0x1e: {  	_ =	swait.ge [sflag:s16], $0x2000  }
0x1f: {  	[sflag:s16] =	ssyncset.done $0x0  }
0x20: {  	[sflag:s16] =	ssyncadd.s32 $0xFFFFE000  }
0x21: {  	[spmem:s6] =	stream.linear.scatter [tilespmem:s15], [sflag:$0x2], $0x2000, $0x38;
	[tilespmem:$0x17040] =	vst v63  }
0x22: {  	_ =	swait.ge [sflag:s16], $0x2000  }
0x23: {  	[sflag:s16] =	ssyncset.done $0x0  }
0x24: {  	[sflag:s16] =	ssyncadd.s32 $0xFFFFE000  }
0x25: {  	[spmem:s7] =	stream.linear.scatter [tilespmem:s15], [sflag:$0x2], $0x2000, $0x38;
	[tilespmem:$0x17040] =	vst v63  }
0x26: {  	_ =	swait.ge [sflag:s16], $0x2000  }
0x27: {  	[sflag:s16] =	ssyncset.done $0x0  }
0x28: {  	[sflag:s16] =	ssyncadd.s32 $0xFFFFE000  }
0x29: {  	[spmem:s8] =	stream.linear.scatter [tilespmem:s15], [sflag:$0x2], $0x2000, $0x38;
	[tilespmem:$0x17040] =	vst v63  }
0x2a: {  	_ =	swait.ge [sflag:s16], $0x2000  }
0x2b: {  	[sflag:s16] =	ssyncset.done $0x0  }
0x2c: {  	[sflag:s16] =	ssyncadd.s32 $0xFFFFE000  }
0x2d: {  	[spmem:s9] =	stream.linear.scatter [tilespmem:s15], [sflag:$0x2], $0x2000, $0x38;
	[tilespmem:$0x17040] =	vst v63  }
0x2e: {  	_ =	swait.ge [sflag:s16], $0x2000  }
0x2f: {  	[sflag:s16] =	ssyncset.done $0x0  }
0x30: {  	s31 =	simm.s32 $0x0;
	[sflag:s16] =	ssyncadd.s32 $0xFFFFE000  }
0x31: {  	[tilespmem:s31], [sflag:$0x2] =	stream.linear.gather [hbm4b:s10+s31], $0x4E20, $0x38;
	[tilespmem:$0x17040] =	vst v63  }
0x32: {  	_ =	swait.ge [sflag:s16], $0x4E20  }
0x33: {  	[sflag:s16] =	ssyncset.done $0x0  }
0x34: {  	[sflag:s16] =	ssyncadd.s32 $0xFFFFB1E0  }
0x35: {  	[tilespmem:s17], [sflag:$0x2] =	stream.linear.gather [hbm4b:s11+s31], $0x4E20, $0x38;
	[tilespmem:$0x17040] =	vst v63  }
0x36: {  	_ =	swait.ge [sflag:s16], $0x4E20  }
0x37: {  	[sflag:s16] =	ssyncset.done $0x0  }
0x38: {  	s22 =	simm.s32 $0x0;
	[sflag:s16] =	ssyncadd.s32 $0xFFFFB1E0  }
0x39: {  	v4 =	vld [tilespmem:s22+$0x0]  }
0x3a: {  	v5 =	vld [tilespmem:s22+$0x10]  }
0x3b: {  	v3 =	vld [tilespmem:s22+$0x20]  }
0x3c: {  	s23 =	simm.s32 $0x140;
	v2 =	vld [tilespmem:s22+$0x30]  }
.LBB2_4:
0x3d: {  	p1 =	sne.s32 s23, $0x13740;
	v6 =	vld [tilespmem:s22+$0x40]  }
0x3e: {  	v4 =	vshll.u32 v4, $0x1  }
0x3f: {  	v4 =	vor.u32 v0, v4;
	v5 =	vshll.u32 v5, $0x1  }
.Ltmp1:
0x40: {  	s24 =	sshra.s32 s23, $0x2;
	[tilespmem:s22+$0x0] =	vst v4;
	v5 =	vor.u32 v0, v5;
	v3 =	vshll.u32 v3, $0x1;
	(pc) =	sbr.rel @p1 .LBB2_4-.Ltmp1, $4  }
0x41: {  	v4 =	vld [tilespmem:s24+$0x0];
	[tilespmem:s22+$0x10] =	vst v5;
	v3 =	vor.u32 v0, v3;
	v2 =	vshll.u32 v2, $0x1  }
0x42: {  	v5 =	vld [tilespmem:s24+$0x10];
	[tilespmem:s22+$0x20] =	vst v3;
	v2 =	vor.u32 v0, v2;
	v6 =	vshll.u32 v6, $0x1  }
0x43: {  	v3 =	vld [tilespmem:s24+$0x20];
	[tilespmem:s22+$0x30] =	vst v2;
	v6 =	vor.u32 v0, v6  }
0x44: {  	s23 =	sadd.s32 $0x140, s23;
	v2 =	vld [tilespmem:s24+$0x30];
	[tilespmem:s22+$0x40] =	vst v6;
	s22 =	smov.u32 s24  }
0x45: {  	v6 =	vld [tilespmem:s22+$0x40]  }
0x46: {  	v4 =	vshll.u32 v4, $0x1  }
0x47: {  	v4 =	vor.u32 v0, v4;
	v5 =	vshll.u32 v5, $0x1  }
0x48: {  	[tilespmem:s22+$0x0] =	vst v4;
	v63 =	vor.u32 v0, v5;
	v3 =	vshll.u32 v3, $0x1  }
0x49: {  	[tilespmem:s22+$0x10] =	vst v63;
	v3 =	vor.u32 v0, v3;
	v2 =	vshll.u32 v2, $0x1  }
0x4a: {  	[tilespmem:s22+$0x20] =	vst v3;
	v2 =	vor.u32 v0, v2;
	v3 =	vshll.u32 v6, $0x1  }
0x4b: {  	[tilespmem:s22+$0x30] =	vst v2;
	v2 =	vor.u32 v0, v3  }
0x4c: {  	[tilespmem:s22+$0x40] =	vst v2  }
0x4d: {  	s30 =	simm.s32 $0x0;
	[bflag:$0x0] =	sbarrier.arrive $0xFFFF  }
0x4e: {  	[tilespmem:s19], [sflag:$0x1] =	stream.indirect.gather [hbm4b:s1+s18], $0x40, s30, s18, $0xb8;
	[tilespmem:$0x17040] =	vst v63  }
0x4f: {  	_ =	swait.ge [sflag:s20], $0x1400  }
0x50: {  	[sflag:s20] =	ssyncset.done $0x0  }
0x51: {  	s31 =	simm.s32 $0x4E20;
	[sflag:s20] =	ssyncadd.s32 $0xFFFFEC00  }
0x52: {  	[spmem:s3] =	stream.indirect.scatter.add.f32 [tilespmem:s19], [sflag:$0x2], $0x40, s31, s18, $0xb8;
	[tilespmem:$0x17040] =	vst v63  }
0x53: {  	_ =	swait.ge [sflag:s16], $0x1400  }
0x54: {  	s23 =	simm.s32 $0x280;
	s22 =	simm.s32 $0x140;
	[sflag:s16] =	ssyncset.done $0x0  }
.LBB2_6:
0x55: {  	s24 =	sshra.s32 s22, $0x2  }
0x56: {  	[sflag:s16] =	ssyncadd.s32 $0xFFFFEC00;
	s22 =	smov.u32 s23;
	s25 =	sadd.s32 $0x140, s23  }
0x57: {  	[tilespmem:s19], [sflag:$0x1] =	stream.indirect.gather [hbm4b:s1+s18], $0x40, s24, s18, $0xb8;
	[tilespmem:$0x17040] =	vst v63  }
0x58: {  	p1 =	sne.s32 s23, $0x13740;
	_ =	swait.ge [sflag:s20], $0x1400  }
.Ltmp2:
0x59: {  	[sflag:s20] =	ssyncset.done $0x0;
	(pc) =	sbr.rel @p1 .LBB2_6-.Ltmp2, $4  }
0x5a: {  	s23 =	sadd.s32 $0x4E20, s24;
	[sflag:s20] =	ssyncadd.s32 $0xFFFFEC00  }
0x5b: {  	[spmem:s3] =	stream.indirect.scatter.add.f32 [tilespmem:s19], [sflag:$0x2], $0x40, s23, s18, $0xb8;
	[tilespmem:$0x17040] =	vst v63  }
0x5c: {  	_ =	swait.ge [sflag:s16], $0x1400  }
0x5d: {  	s23 =	smov.u32 s25;
	[sflag:s16] =	ssyncset.done $0x0  }
0x5e: {  	s22 =	sshra.s32 s22, $0x2;
	[sflag:s16] =	ssyncadd.s32 $0xFFFFEC00  }
0x5f: {  	[tilespmem:s19], [sflag:$0x1] =	stream.indirect.gather [hbm4b:s1+s18], $0x40, s22, s18, $0xb8;
	[tilespmem:$0x17040] =	vst v63  }
0x60: {  	_ =	swait.ge [sflag:s20], $0x1400  }
0x61: {  	[sflag:s20] =	ssyncset.done $0x0  }
0x62: {  	s22 =	sadd.s32 $0x4E20, s22;
	[sflag:s20] =	ssyncadd.s32 $0xFFFFEC00  }
0x63: {  	[spmem:s3] =	stream.indirect.scatter.add.f32 [tilespmem:s19], [sflag:$0x2], $0x40, s22, s18, $0xb8;
	[tilespmem:$0x17040] =	vst v63  }
0x64: {  	_ =	swait.ge [sflag:s16], $0x1400  }
0x65: {  	[sflag:s16] =	ssyncset.done $0x0  }
0x66: {  	[sflag:s16] =	ssyncadd.s32 $0xFFFFEC00  }
0x67: {  	s22 =	simm.s32 @p0 $0x1FC2;
	[bflag:$0x0] =	sbarrier.arrive $0xFFFF  }
0x68: {  	[hbm:s13], [sflag:s22] =	dma.local @p0 [spmem:s21], $0xC80  }
0x69: {  	s22 =	simm.s32 @p0 $0x2  }
0x6a: {  	s4 =	sadd.s32 $0x1, s4;
	_ =	swait.ge @p0 [sflag:s22], $0xC80  }
0x6b: {  	s23 =	sshll.u32 @!p0 s2, $0x6;
	p1 =	sne.s32 s4, s14;
	[sflag:s22] =	ssyncset.done @p0 $0x0  }
0x6c: {  	[sflag:s22] =	ssyncadd.s32 @p0 $0xFFFFF380;
	s22 =	sor.u32 @!p0 $0x1C02, s23;
	s23 =	sshrl.u32 @!p0 s5, $0x3  }
0x6d: {  	[hbm:s12], [sflag:s22] =	dma.local @!p0 [spmem:s23], $0x1400  }
.Ltmp3:
0x6e: {  	_ = 	snop;
	(pc) =	sbr.rel @p1 .LBB2_1-.Ltmp3, $4  }
0x6f: {  	s22 =	simm.s32 @!p0 $0x2  }
0x70: {  	_ =	swait.ge @!p0 [sflag:s22], $0x1400  }
0x71: {  	[sflag:s22] =	ssyncset.done @!p0 $0x0  }
0x72: {  	[sflag:s22] =	ssyncadd.s32 @!p0 $0xFFFFEC00  }
0x73: {  	_ =	sfence.sel $0x180000  }
0x74: {  	[bflag:$0x0] =	sbarrier.arrive $0xFFFF  }
0x75: {  	p0 =	sne.s32 s2, $0x0;
	_ =	strace $0x90000047  }
0x76: {  	s0 =	sadd.s32 @!p0 $0x100000, s0;
	[bflag:$0x2] =	sbarrier.arrive $0xFFFF  }
0x77: {  	[sflag:s0] =	ssyncadd.tile.s32 @!p0 $0x1;
	_ =	shalt  }
.Lfunc_end2:
_tile_overlayer_lowered:
.L_overlay_start_2:
0x78: {  	(tag) =	ssettag $0x2  }
0x79: {  	s0 =	rddreg [dreg:$0x0];
	s2 =	stileid.u32  }
0x7a: {  	s1 =	rddreg [dreg:$0x1];
	p0 =	sne.s32 s2, $0x0  }
0x7b: {  	s3 =	rddreg [dreg:$0x2];
	[bflag:$0x3] =	sbarrier.arrive $0xFFFF;
	s2 =	simm.s32 @!p0 $0x1C02  }
0x7c: {  	[timem:s3], [sflag:s2] =	dma.local @!p0 [hbm:s0], s1  }
0x7d: {  	s0 =	simm.s32 @!p0 $0x2  }
0x7e: {  	_ =	swait.ge @!p0 [sflag:s0], s1  }
0x7f: {  	s1 =	ssub.s32 @!p0 $0x0, s1;
	[sflag:s0] =	ssyncset.done @!p0 $0x0  }
0x80: {  	[sflag:s0] =	ssyncadd.s32 @!p0 s1  }
0x81: {  	[bflag:$0x3] =	sbarrier.arrive $0xFFFF  }
0x82: {  	_ =	shalt  }

// kernel: kernel.13.cloned.1.call-start
scs
__scs_entry_jumppad:
0x0: {  	(pc) =	sbr.rel $0x88, $3  }
0x1: {  	(tag) =	ssettag $0x0;
	lr =	simm.s32 $0x1  }
0x2: {  	[smem:$0x3F97] =	sst lr;
	_ =	strace $0xD0000000  }
0x3: {  	_ = 	snop  }
0x4: {  	_ = 	snop  }
0x5: {  	_ = 	snop  }
0x6: {  	_ = 	snop  }
0x7: {  	_ = 	snop  }
__scs_overlays_trampoline_lowered:
0x8: {  	[smem:$0x3FA6] =	sst s0  }
0x9: {  	[smem:$0x3FA7] =	sst s1  }
0xa: {  	[smem:$0x3FA8] =	sst s2  }
0xb: {  	[smem:$0x3FA9] =	sst s3  }
0xc: {  	[smem:$0x3FAA] =	sst s4  }
0xd: {  	[smem:$0x3FAB] =	sst s5  }
0xe: {  	[smem:$0x3FAC] =	sst s6  }
0xf: {  	[smem:$0x3FAD] =	sst s7  }
0x10: {  	[smem:$0x3FAE] =	sst s8  }
0x11: {  	[smem:$0x3FAF] =	sst s9;
	s0 =	simm.s32 @!p0 $0x0  }
0x12: {  	s1 =	sld [smem:$0x3F95];
	s0 =	simm.s32 @p0 $0x1  }
0x13: {  	[smem:$0x3FB0] =	sst s0;
	s0 =	simm.s32 @!p1 $0x0  }
0x14: {  	s2 =	sld [smem:$0x3F94];
	s0 =	simm.s32 @p1 $0x1  }
0x15: {  	[smem:$0x3FB1] =	sst s0;
	s0 =	simm.s32 @!p2 $0x0  }
0x16: {  	s3 =	sld [smem:$0x3FDB];
	s0 =	simm.s32 @p2 $0x1  }
0x17: {  	s4 =	simm.s32 $0x1BF5;
	[smem:$0x3FB3] =	sst s0  }
0x18: {  	s0 =	sld [smem:$0x3F96];
	_ =	swait.ge [sflag:s4], $0x0  }
0x19: {  	s7 =	sld [smem:$0x3F97]  }
0x1a: {  	s8 =	sadd.s32 $0xFFFFE003, lr  }
0x1b: {  	s9 =	sadd.s32 $0xFFFFFEF7, lr;
	s5 =	simm.s32 $0xFFFFFFFF;
	p2 =	slt.u32 s8, $0xFFFFF086  }
0x1c: {  	p1 =	slt.u32 s9, $0xF7A;
	s5 =	simm.s32 @!p2 $0x0  }
0x1d: {  	s5 =	simm.s32 @p1 $0x1;
	p0 =	seq.s32 s7, s2  }
0x1e: {  	s7 =	smul.u32 @!p0 $0xF7A, s2;
	p2 =	seq.s32 @!p0 s5, $0x0  }
0x1f: {  	s9 =	smul.u32 $0xF7A, s1;
	s8 =	simm.s32 @!p0 $0x1BF5;
	p2 =	por !p2, p0  }
0x20: {  	[sflag:s8] =	ssyncset.s32 @!p0 $0xFFFFF086;
	s6 =	sadd.s32 @!p0 s3, s7;
	s7 =	simm.s32 @!p0 $0x108  }
0x21: {  	s3 =	sadd.s32 s3, s9;
	s6 =	sadd.s32 @!p0 $0x88, s6;
	s7 =	simm.s32 @p2 $0x1082  }
0x22: {  	[simem:s7], [sflag:s8] =	dma.local @!p0 [hbm:s6], $0xF7A  }
0x23: {  	s9 =	sor.u32 $0xD0000000, s2;
	s6 =	simm.s32 $0x108;
	_ =	swait.ge @!p0 [sflag:s8], $0x0  }
0x24: {  	s3 =	sadd.s32 $0x88, s3;
	s6 =	simm.s32 @!p1 $0x1082;
	[sflag:s4] =	ssyncset.s32 $0xFFFFF086  }
0x25: {  	[simem:s6], [sflag:s4] =	dma.local [hbm:s3], $0xF7A  }
0x26: {  	[smem:$0x3F97] =	sst s1;
	(tag) =	ssettag s2;
	_ =	strace s9  }
0x27: {  	s1 =	sld [smem:$0x3FA7]  }
0x28: {  	s2 =	sld [smem:$0x3FA8]  }
0x29: {  	s4 =	sld [smem:$0x3FAA]  }
0x2a: {  	p0 =	seq.s32 s5, $0x0;
	s5 =	sld [smem:$0x3FAB]  }
0x2b: {  	s6 =	sld [smem:$0x3FAC]  }
0x2c: {  	s7 =	sld [smem:$0x3FAD]  }
0x2d: {  	s3 =	simm.s32 $0x108;
	s8 =	sld [smem:$0x3FAE]  }
0x2e: {  	s3 =	simm.s32 @!p0 $0x1082;
	s9 =	sld [smem:$0x3FAF]  }
0x2f: {  	lr =	sadd.s32 s0, s3;
	s0 =	sld [smem:$0x3FA6]  }
0x30: {  	s3 =	sld [smem:$0x3FA9]  }
0x31: {  	[smem:$0x3FB2] =	sst s10  }
0x32: {  	s10 =	sld [smem:$0x3FB0];
	_ =	sdelay $0x3  }
0x33: {  	p0 =	seq.s32 s10, $0x1;
	s10 =	sld [smem:$0x3FB2];
	_ =	sdelay $0x3  }
0x34: {  	[smem:$0x3FB2] =	sst s10  }
0x35: {  	s10 =	sld [smem:$0x3FB1];
	_ =	sdelay $0x3  }
0x36: {  	p1 =	seq.s32 s10, $0x1;
	s10 =	sld [smem:$0x3FB2];
	_ =	sdelay $0x3  }
0x37: {  	[smem:$0x3FB2] =	sst s10  }
0x38: {  	s10 =	sld [smem:$0x3FB3]  }
0x39: {  	_ = 	snop;
	(pc) =	sbr.ind lr, $3  }
0x3a: {  	_ = 	snop  }
0x3b: {  	_ = 	snop  }
0x3c: {  	p2 =	seq.s32 s10, $0x1;
	s10 =	sld [smem:$0x3FB2]  }
0x3d: {  	_ =	shalt  }
0x3e: {  	_ =	shalt  }
0x3f: {  	_ =	shalt  }
0x40: {  	_ =	shalt  }
0x41: {  	_ =	shalt  }
0x42: {  	_ =	shalt  }
0x43: {  	_ =	shalt  }
0x44: {  	_ =	shalt  }
0x45: {  	_ =	shalt  }
0x46: {  	_ =	shalt  }
0x47: {  	_ =	shalt  }
0x48: {  	_ =	shalt  }
0x49: {  	_ =	shalt  }
0x4a: {  	_ =	shalt  }
0x4b: {  	_ =	shalt  }
0x4c: {  	_ =	shalt  }
0x4d: {  	_ =	shalt  }
0x4e: {  	_ =	shalt  }
0x4f: {  	_ =	shalt  }
0x50: {  	_ =	shalt  }
0x51: {  	_ =	shalt  }
0x52: {  	_ =	shalt  }
0x53: {  	_ =	shalt  }
0x54: {  	_ =	shalt  }
0x55: {  	_ =	shalt  }
0x56: {  	_ =	shalt  }
0x57: {  	_ =	shalt  }
0x58: {  	_ =	shalt  }
0x59: {  	_ =	shalt  }
0x5a: {  	_ =	shalt  }
0x5b: {  	_ =	shalt  }
0x5c: {  	_ =	shalt  }
0x5d: {  	_ =	shalt  }
0x5e: {  	_ =	shalt  }
0x5f: {  	_ =	shalt  }
0x60: {  	_ =	shalt  }
0x61: {  	_ =	shalt  }
0x62: {  	_ =	shalt  }
0x63: {  	_ =	shalt  }
0x64: {  	_ =	shalt  }
0x65: {  	_ =	shalt  }
0x66: {  	_ =	shalt  }
0x67: {  	_ =	shalt  }
0x68: {  	_ =	shalt  }
0x69: {  	_ =	shalt  }
0x6a: {  	_ =	shalt  }
0x6b: {  	_ =	shalt  }
0x6c: {  	_ =	shalt  }
0x6d: {  	_ =	shalt  }
0x6e: {  	_ =	shalt  }
0x6f: {  	_ =	shalt  }
0x70: {  	_ =	shalt  }
0x71: {  	_ =	shalt  }
0x72: {  	_ =	shalt  }
0x73: {  	_ =	shalt  }
0x74: {  	_ =	shalt  }
0x75: {  	_ =	shalt  }
0x76: {  	_ =	shalt  }
0x77: {  	_ =	shalt  }
0x78: {  	_ =	shalt  }
0x79: {  	_ =	shalt  }
0x7a: {  	_ =	shalt  }
0x7b: {  	_ =	shalt  }
0x7c: {  	_ =	shalt  }
0x7d: {  	_ =	shalt  }
0x7e: {  	_ =	shalt  }
0x7f: {  	_ =	shalt  }
0x80: {  	_ =	shalt  }
0x81: {  	_ =	shalt  }
0x82: {  	_ =	shalt  }
0x83: {  	_ =	shalt  }
0x84: {  	_ =	shalt  }
0x85: {  	_ =	shalt  }
0x86: {  	_ =	shalt  }
0x87: {  	_ =	shalt  }
.Lfunc_end0:
.L_simem_size_0:
called_computation.2_lowered:
.L_overlay_start_0:
0x88: {  	s2 =	sld [smem:$0x3FD9]  }
0x89: {  	s3 =	sld [smem:$0x3FFE];
	_ =	sdelay $0x1  }
0x8a: {  	s1 =	srdreg.scid  }
0x8b: {  	s0 =	sand.u32 $0x1, s1  }
0x8c: {  	s17 =	sshll.u32 s0, $0xA;
	s2 =	sadd.s32 s3, s2  }
0x8d: {  	s2 =	sadd.s32 s2, s17  }
0x8e: {  	[smem:$0x3FBE] =	sst s2  }
0x8f: {  	_ = 	snop  }
0x90: {  	s2 =	sld [smem:$0x3FD0];
	(tm) =	ssettm $0x1  }
0x91: {  	s18 =	sld [smem:$0x3FFB];
	_ =	sdelay $0x3  }
0x92: {  	_ =	strace s18  }
0x93: {  	s3 =	sld [smem:$0x3FFC];
	_ =	sdelay $0x3  }
0x94: {  	_ =	strace s3  }
0x95: {  	s3 =	sld [smem:$0x3FFD];
	_ =	sdelay $0x3  }
0x96: {  	_ =	strace s3  }
0x97: {  	_ =	strace $0x8FFFFFFF  }
0x98: {  	s19 =	sld [smem:$0x3FDB];
	_ =	sdelay $0x1  }
0x99: {  	s4 =	simm.s32 $_scs_section_size  }
0x9a: {  	s5 =	simm.s32 $_size__tile_overlayer_lowered;
	s6 =	simm.s32 $_tile_overlayer_lowered  }
0x9b: {  	s22 =	simm.s32 $0x1BFF;
	s21 =	sshll.u32 s6, $0x1;
	s3 =	sadd.s32 s4, s19  }
0x9c: {  	s7 =	simm.s32 $0x0;
	s20 =	sshll.u32 s5, $0x1;
	s5 =	sadd.s32 s21, s3  }
0x9d: {  	[timem:s7], [sflag:s22] =	dma.local [hbm:s5], s20  }
0x9e: {  	_ =	swait.ge [sflag:s22], s20  }
0x9f: {  	s4 =	ssub.s32 $0x0, s20;
	[sflag:s22] =	ssyncset.done $0x0  }
0xa0: {  	[sflag:s22] =	ssyncadd.s32 s4;
	_ =	sdelay $0x1  }
0xa1: {  	s23 =	simm.s32 $0x1B8B  }
0xa2: {  	_ =	swait.ge [sflag:s23], $0x1  }
0xa3: {  	[sflag:s23] =	ssyncset.done $0x0  }
0xa4: {  	s25 =	simm.s32 $0x1B8E;
	s24 =	sld [smem:$0x3FFE];
	[sflag:s23] =	ssyncadd.s32 $0xFFFFFFFF  }
0xa5: {  	s26 =	simm.s32 $execute0_lowered;
	[smem:$0x3FD2] =	sst s25  }
0xa6: {  	s5 =	sshll.u32 s26, $0x1;
	_ =	strace $0x8000004C;
	[dreg:$0x1] =	wrdreg $0xFFFFFFFF  }
0xa7: {  	s28 =	simm.s32 $_size_execute0_lowered;
	s3 =	sadd.s32 s3, s5;
	[dreg:$0x0] =	wrdreg $0x0  }
0xa8: {  	s5 =	sshll.u32 s28, $0x1;
	[dreg:$0x2] =	wrdreg s3  }
0xa9: {  	[dreg:$0x3] =	wrdreg s5  }
0xaa: {  	[dreg:$0x4] =	wrdreg $0xC0  }
0xab: {  	_ =	task [dreg:s7], $0x5FFFF  }
0xac: {  	[dreg:$0x1] =	wrdreg $0xFFFFFFFF  }
0xad: {  	[dreg:$0x0] =	wrdreg $0x60  }
0xae: {  	[dreg:$0x2] =	wrdreg s2  }
0xaf: {  	[dreg:$0x3] =	wrdreg s24  }
0xb0: {  	[dreg:$0x4] =	wrdreg $0xD0400  }
0xb1: {  	[dreg:$0x5] =	wrdreg $0x9  }
0xb2: {  	_ =	task.clear_ibuf [dreg:s7], $0x6FFFF;
	_ =	strace $0x9000004C  }
0xb3: {  	s29 =	simm.s32 $0x9;
	_ =	strace $0x8000004E  }
0xb4: {  	_ =	swait.ge [sflag:s29], $0x1  }
0xb5: {  	[sflag:s29] =	ssyncadd.s32 $0xFFFFFFFF  }
0xb6: {  	_ =	strace $0x9000004E  }
0xb7: {  	_ =	sfence  }
0xb8: {  	s30 =	sld [smem:$0x0];
	_ =	sdelay $0x2  }
0xb9: {  	s31 =	sshll.u32 s1, $0xD;
	s1 =	sshrl.u32 s1, $0x2  }
0xba: {  	s3 =	sand.u32 $0x4000, s31;
	s1 =	sadd.s32 s1, s30  }
0xbb: {  	s0 =	sor.u32 s3, s0;
	s1 =	sshll.u32 s1, $0x11  }
0xbc: {  	s0 =	sor.u32 s1, s0  }
0xbd: {  	s0 =	sadd.s32 $0x8F2B, s0  }
0xbe: {  	[sflag:s0] =	ssyncadd.remote.s32 $0x1  }
0xbf: {  	_ =	sfence.sel $0xFFFF  }
0xc0: {  	[dreg:$0x0] =	wrdreg $0xFFFFFFFF;
	(pc) =	sbr.abs _section_cstart, $3  }
0xc1: {  	[dreg:$0x1] =	wrdreg $0xFFFFFFFF  }
0xc2: {  	_ =	task.clear_ibuf [dreg:s7], $0x2FFFF;
	_ =	strace $0x9FFFFFFF  }
0xc3: {  	(tm) =	ssettm $0x7FFFFFFF  }
tec
execute0_lowered:
.L_overlay_start_1:
0x0: {  	(tag) =	ssettag $0x1  }
0x1: {  	s2 =	rddreg [dreg:$0x0]  }
0x2: {  	s5 =	rddreg [dreg:$0x1]  }
0x3: {  	s3 =	rddreg [dreg:$0x2]  }
0x4: {  	s0 =	rddreg [dreg:$0x3];
	s1 =	stileid.u32  }
0x5: {  	s4 =	simm.s32 $0x0;
	s7 =	srdreg.scid;
	s16 =	simm.s32 $0x2  }
0x6: {  	s17 =	simm.s32 $0x4E20;
	s18 =	simm.s32 $0x50;
	s6 =	smul.u32 $0x9C4, s1  }
0x7: {  	s20 =	simm.s32 $0x1;
	[smem:$0x7FF] =	sst s4;
	s30 =	smul.u32 $0x28000, s1  }
0x8: {  	s19 =	sand.u32 $0x1, s7;
	s12 =	smul.u32 $0xA000, s1;
	s13 =	sadd.s32 $0x16400, s5  }
0x9: {  	s21 =	sadd.s32 $0x96000, s3;
	p0 =	seq.s32 s1, $0xF;
	_ =	strace $0x8000004D  }
0xa: {  	s31 =	ssub.s32 $0x2, s19;
	s15 =	smul.u32 $0x9C400, s19;
	v0 =	vmov s19;
	s19 =	simm.s32 $0x9C40  }
0xb: {  	s21 =	sshrl.u32 @p0 s21, $0x3;
	s11 =	sadd.s32 s6, s5;
	s8 =	sshrl.u32 s31, $0x1  }
0xc: {  	s7 =	sshrl.u32 s30, $0x2;
	s5 =	sadd.s32 s12, s3;
	s14 =	ssub.s32 s31, s8  }
0xd: {  	s9 =	sadd.s32 s7, s3;
	s10 =	sadd.s32 $0xC600, s11;
	s12 =	sadd.s32 s12, s15  }
0xe: {  	s15 =	sshrl.u32 s15, $0x3;
	s11 =	sadd.s32 $0x2800, s11;
	s6 =	sadd.s32 $0x2000, s9  }
0xf: {  	s7 =	sadd.s32 $0x4000, s9;
	s8 =	sadd.s32 $0x6000, s9;
	s9 =	sadd.s32 $0x8000, s9  }
0x10: {  	s12 =	sshrl.u32 s12, $0x3;
	s15 =	sadd.s32 s13, s15;
	s14 =	smax.u32 s14, $0x1  }
0x11: {  	v1 =	vimm.f32 $0.0e+00;
	s12 =	sadd.s32 s13, s12;
	s13 =	sadd.s32 $0x12C00, s15;
	s15 =	simm.s32 $0xB040  }
.LBB2_1:
0x12: {  	s23 =	simm.s32 $0x100;
	s22 =	simm.s32 $0x0  }
.LBB2_2:
0x13: {  	p1 =	sne.s32 s23, $0x7F00;
	[tilespmem:s22+$0xB070] =	vst v1;
	s24 =	smov.u32 s23;
	s23 =	sadd.s32 $0x100, s23  }
.Ltmp0:
0x14: {  	[tilespmem:s22+$0xB060] =	vst v1;
	(pc) =	sbr.rel @p1 .LBB2_2-.Ltmp0, $3  }
0x15: {  	[tilespmem:s22+$0xB040] =	vst v1  }
0x16: {  	[tilespmem:s22+$0xB050] =	vst v1;
	_ =	sdelay $0x1  }
0x17: {  	s22 =	sshra.s32 s24, $0x2  }
0x18: {  	[tilespmem:s22+$0xB070] =	vst v1  }
0x19: {  	[tilespmem:s22+$0xB060] =	vst v1  }
0x1a: {  	[tilespmem:s22+$0xB040] =	vst v1  }
0x1b: {  	[tilespmem:s22+$0xB050] =	vst v1  }
0x1c: {  	[spmem:s5] =	stream.linear.scatter [tilespmem:s15], [sflag:$0x2], $0x2000, $0x38;
	[tilespmem:$0x17040] =	vst v63  }
0x1d: {  	_ =	swait.ge [sflag:s16], $0x2000  }
0x1e: {  	[sflag:s16] =	ssyncset.done $0x0  }
0x1f: {  	[sflag:s16] =	ssyncadd.s32 $0xFFFFE000  }
0x20: {  	[spmem:s6] =	stream.linear.scatter [tilespmem:s15], [sflag:$0x2], $0x2000, $0x38;
	[tilespmem:$0x17040] =	vst v63  }
0x21: {  	_ =	swait.ge [sflag:s16], $0x2000  }
0x22: {  	[sflag:s16] =	ssyncset.done $0x0  }
0x23: {  	[sflag:s16] =	ssyncadd.s32 $0xFFFFE000  }
0x24: {  	[spmem:s7] =	stream.linear.scatter [tilespmem:s15], [sflag:$0x2], $0x2000, $0x38;
	[tilespmem:$0x17040] =	vst v63  }
0x25: {  	_ =	swait.ge [sflag:s16], $0x2000  }
0x26: {  	[sflag:s16] =	ssyncset.done $0x0  }
0x27: {  	[sflag:s16] =	ssyncadd.s32 $0xFFFFE000  }
0x28: {  	[spmem:s8] =	stream.linear.scatter [tilespmem:s15], [sflag:$0x2], $0x2000, $0x38;
	[tilespmem:$0x17040] =	vst v63  }
0x29: {  	_ =	swait.ge [sflag:s16], $0x2000  }
0x2a: {  	[sflag:s16] =	ssyncset.done $0x0  }
0x2b: {  	[sflag:s16] =	ssyncadd.s32 $0xFFFFE000  }
0x2c: {  	[spmem:s9] =	stream.linear.scatter [tilespmem:s15], [sflag:$0x2], $0x2000, $0x38;
	[tilespmem:$0x17040] =	vst v63  }
0x2d: {  	_ =	swait.ge [sflag:s16], $0x2000  }
0x2e: {  	[sflag:s16] =	ssyncset.done $0x0  }
0x2f: {  	s31 =	simm.s32 $0x0;
	[sflag:s16] =	ssyncadd.s32 $0xFFFFE000  }
0x30: {  	[tilespmem:s31], [sflag:$0x2] =	stream.linear.gather [hbm4b:s10+s31], $0x4E20, $0x38;
	[tilespmem:$0x17040] =	vst v63  }
0x31: {  	_ =	swait.ge [sflag:s16], $0x4E20  }
0x32: {  	[sflag:s16] =	ssyncset.done $0x0  }
0x33: {  	[sflag:s16] =	ssyncadd.s32 $0xFFFFB1E0  }
0x34: {  	[tilespmem:s17], [sflag:$0x2] =	stream.linear.gather [hbm4b:s11+s31], $0x4E20, $0x38;
	[tilespmem:$0x17040] =	vst v63  }
0x35: {  	_ =	swait.ge [sflag:s16], $0x4E20  }
0x36: {  	[sflag:s16] =	ssyncset.done $0x0  }
0x37: {  	s22 =	simm.s32 $0x0;
	[sflag:s16] =	ssyncadd.s32 $0xFFFFB1E0  }
0x38: {  	v4 =	vld [tilespmem:s22+$0x0]  }
0x39: {  	v5 =	vld [tilespmem:s22+$0x10]  }
0x3a: {  	v3 =	vld [tilespmem:s22+$0x20]  }
0x3b: {  	s23 =	simm.s32 $0x140;
	v2 =	vld [tilespmem:s22+$0x30]  }
.LBB2_4:
0x3c: {  	p1 =	sne.s32 s23, $0x13740;
	v6 =	vld [tilespmem:s22+$0x40]  }
0x3d: {  	v4 =	vshll.u32 v4, $0x1  }
0x3e: {  	v4 =	vor.u32 v0, v4;
	v5 =	vshll.u32 v5, $0x1  }
.Ltmp1:
0x3f: {  	s24 =	sshra.s32 s23, $0x2;
	[tilespmem:s22+$0x0] =	vst v4;
	v5 =	vor.u32 v0, v5;
	v3 =	vshll.u32 v3, $0x1;
	(pc) =	sbr.rel @p1 .LBB2_4-.Ltmp1, $4  }
0x40: {  	v4 =	vld [tilespmem:s24+$0x0];
	[tilespmem:s22+$0x10] =	vst v5;
	v3 =	vor.u32 v0, v3;
	v2 =	vshll.u32 v2, $0x1  }
0x41: {  	v5 =	vld [tilespmem:s24+$0x10];
	[tilespmem:s22+$0x20] =	vst v3;
	v2 =	vor.u32 v0, v2;
	v6 =	vshll.u32 v6, $0x1  }
0x42: {  	v3 =	vld [tilespmem:s24+$0x20];
	[tilespmem:s22+$0x30] =	vst v2;
	v6 =	vor.u32 v0, v6  }
0x43: {  	s23 =	sadd.s32 $0x140, s23;
	v2 =	vld [tilespmem:s24+$0x30];
	[tilespmem:s22+$0x40] =	vst v6;
	s22 =	smov.u32 s24  }
0x44: {  	v6 =	vld [tilespmem:s22+$0x40]  }
0x45: {  	v4 =	vshll.u32 v4, $0x1  }
0x46: {  	v4 =	vor.u32 v0, v4;
	v5 =	vshll.u32 v5, $0x1  }
0x47: {  	[tilespmem:s22+$0x0] =	vst v4;
	v63 =	vor.u32 v0, v5;
	v3 =	vshll.u32 v3, $0x1  }
0x48: {  	[tilespmem:s22+$0x10] =	vst v63;
	v3 =	vor.u32 v0, v3;
	v2 =	vshll.u32 v2, $0x1  }
0x49: {  	[tilespmem:s22+$0x20] =	vst v3;
	v2 =	vor.u32 v0, v2;
	v3 =	vshll.u32 v6, $0x1  }
0x4a: {  	[tilespmem:s22+$0x30] =	vst v2;
	v2 =	vor.u32 v0, v3  }
0x4b: {  	[tilespmem:s22+$0x40] =	vst v2  }
0x4c: {  	s30 =	simm.s32 $0x0;
	[bflag:$0x0] =	sbarrier.arrive $0xFFFF  }
0x4d: {  	[tilespmem:s19], [sflag:$0x1] =	stream.indirect.gather [hbm4b:s2+s18], $0x40, s30, s18, $0xb8;
	[tilespmem:$0x17040] =	vst v63  }
0x4e: {  	_ =	swait.ge [sflag:s20], $0x1400  }
0x4f: {  	[sflag:s20] =	ssyncset.done $0x0  }
0x50: {  	s31 =	simm.s32 $0x4E20;
	[sflag:s20] =	ssyncadd.s32 $0xFFFFEC00  }
0x51: {  	[spmem:s3] =	stream.indirect.scatter.add.f32 [tilespmem:s19], [sflag:$0x2], $0x40, s31, s18, $0xb8;
	[tilespmem:$0x17040] =	vst v63  }
0x52: {  	_ =	swait.ge [sflag:s16], $0x1400  }
0x53: {  	s23 =	simm.s32 $0x280;
	s22 =	simm.s32 $0x140;
	[sflag:s16] =	ssyncset.done $0x0  }
.LBB2_6:
0x54: {  	s24 =	sshra.s32 s22, $0x2  }
0x55: {  	[sflag:s16] =	ssyncadd.s32 $0xFFFFEC00;
	s22 =	smov.u32 s23;
	s25 =	sadd.s32 $0x140, s23  }
0x56: {  	[tilespmem:s19], [sflag:$0x1] =	stream.indirect.gather [hbm4b:s2+s18], $0x40, s24, s18, $0xb8;
	[tilespmem:$0x17040] =	vst v63  }
0x57: {  	p1 =	sne.s32 s23, $0x13740;
	_ =	swait.ge [sflag:s20], $0x1400  }
.Ltmp2:
0x58: {  	[sflag:s20] =	ssyncset.done $0x0;
	(pc) =	sbr.rel @p1 .LBB2_6-.Ltmp2, $4  }
0x59: {  	s23 =	sadd.s32 $0x4E20, s24;
	[sflag:s20] =	ssyncadd.s32 $0xFFFFEC00  }
0x5a: {  	[spmem:s3] =	stream.indirect.scatter.add.f32 [tilespmem:s19], [sflag:$0x2], $0x40, s23, s18, $0xb8;
	[tilespmem:$0x17040] =	vst v63  }
0x5b: {  	_ =	swait.ge [sflag:s16], $0x1400  }
0x5c: {  	s23 =	smov.u32 s25;
	[sflag:s16] =	ssyncset.done $0x0  }
0x5d: {  	s22 =	sshra.s32 s22, $0x2;
	[sflag:s16] =	ssyncadd.s32 $0xFFFFEC00  }
0x5e: {  	[tilespmem:s19], [sflag:$0x1] =	stream.indirect.gather [hbm4b:s2+s18], $0x40, s22, s18, $0xb8;
	[tilespmem:$0x17040] =	vst v63  }
0x5f: {  	_ =	swait.ge [sflag:s20], $0x1400  }
0x60: {  	[sflag:s20] =	ssyncset.done $0x0  }
0x61: {  	s22 =	sadd.s32 $0x4E20, s22;
	[sflag:s20] =	ssyncadd.s32 $0xFFFFEC00  }
0x62: {  	[spmem:s3] =	stream.indirect.scatter.add.f32 [tilespmem:s19], [sflag:$0x2], $0x40, s22, s18, $0xb8;
	[tilespmem:$0x17040] =	vst v63  }
0x63: {  	_ =	swait.ge [sflag:s16], $0x1400  }
0x64: {  	[sflag:s16] =	ssyncset.done $0x0  }
0x65: {  	[sflag:s16] =	ssyncadd.s32 $0xFFFFEC00  }
0x66: {  	s22 =	simm.s32 @p0 $0x1FC2;
	[bflag:$0x0] =	sbarrier.arrive $0xFFFF  }
0x67: {  	[hbm:s13], [sflag:s22] =	dma.local @p0 [spmem:s21], $0xC80  }
0x68: {  	s22 =	simm.s32 @p0 $0x2  }
0x69: {  	s4 =	sadd.s32 $0x1, s4;
	_ =	swait.ge @p0 [sflag:s22], $0xC80  }
0x6a: {  	s23 =	sshll.u32 @!p0 s1, $0x6;
	p1 =	sne.s32 s4, s14;
	[sflag:s22] =	ssyncset.done @p0 $0x0  }
0x6b: {  	[sflag:s22] =	ssyncadd.s32 @p0 $0xFFFFF380;
	s22 =	sor.u32 @!p0 $0x1C02, s23;
	s23 =	sshrl.u32 @!p0 s5, $0x3  }
0x6c: {  	[hbm:s12], [sflag:s22] =	dma.local @!p0 [spmem:s23], $0x1400  }
.Ltmp3:
0x6d: {  	_ = 	snop;
	(pc) =	sbr.rel @p1 .LBB2_1-.Ltmp3, $4  }
0x6e: {  	s22 =	simm.s32 @!p0 $0x2  }
0x6f: {  	_ =	swait.ge @!p0 [sflag:s22], $0x1400  }
0x70: {  	[sflag:s22] =	ssyncset.done @!p0 $0x0  }
0x71: {  	[sflag:s22] =	ssyncadd.s32 @!p0 $0xFFFFEC00  }
0x72: {  	_ =	sfence.sel $0x180000  }
0x73: {  	[bflag:$0x0] =	sbarrier.arrive $0xFFFF  }
0x74: {  	p0 =	sne.s32 s1, $0x0;
	_ =	strace $0x9000004D  }
0x75: {  	s0 =	sadd.s32 @!p0 $0x100000, s0;
	[bflag:$0x2] =	sbarrier.arrive $0xFFFF  }
0x76: {  	[sflag:s0] =	ssyncadd.tile.s32 @!p0 $0x1;
	_ =	shalt  }
.Lfunc_end2:
_tile_overlayer_lowered:
.L_overlay_start_2:
0x77: {  	(tag) =	ssettag $0x2  }
0x78: {  	s0 =	rddreg [dreg:$0x0];
	s2 =	stileid.u32  }
0x79: {  	s1 =	rddreg [dreg:$0x1];
	p0 =	sne.s32 s2, $0x0  }
0x7a: {  	s3 =	rddreg [dreg:$0x2];
	[bflag:$0x3] =	sbarrier.arrive $0xFFFF;
	s2 =	simm.s32 @!p0 $0x1C02  }
0x7b: {  	[timem:s3], [sflag:s2] =	dma.local @!p0 [hbm:s0], s1  }
0x7c: {  	s0 =	simm.s32 @!p0 $0x2  }
0x7d: {  	_ =	swait.ge @!p0 [sflag:s0], s1  }
0x7e: {  	s1 =	ssub.s32 @!p0 $0x0, s1;
	[sflag:s0] =	ssyncset.done @!p0 $0x0  }
0x7f: {  	[sflag:s0] =	ssyncadd.s32 @!p0 s1  }
0x80: {  	[bflag:$0x3] =	sbarrier.arrive $0xFFFF  }
0x81: {  	_ =	shalt  }

// kernel: kernel.7.cloned.1.call-start
scs
__scs_entry_jumppad:
0x0: {  	(pc) =	sbr.rel $0x88, $3  }
0x1: {  	(tag) =	ssettag $0x0;
	lr =	simm.s32 $0x1  }
0x2: {  	[smem:$0x3F97] =	sst lr;
	_ =	strace $0xD0000000  }
0x3: {  	_ = 	snop  }
0x4: {  	_ = 	snop  }
0x5: {  	_ = 	snop  }
0x6: {  	_ = 	snop  }
0x7: {  	_ = 	snop  }
__scs_overlays_trampoline_lowered:
0x8: {  	[smem:$0x3FA6] =	sst s0  }
0x9: {  	[smem:$0x3FA7] =	sst s1  }
0xa: {  	[smem:$0x3FA8] =	sst s2  }
0xb: {  	[smem:$0x3FA9] =	sst s3  }
0xc: {  	[smem:$0x3FAA] =	sst s4  }
0xd: {  	[smem:$0x3FAB] =	sst s5  }
0xe: {  	[smem:$0x3FAC] =	sst s6  }
0xf: {  	[smem:$0x3FAD] =	sst s7  }
0x10: {  	[smem:$0x3FAE] =	sst s8  }
0x11: {  	[smem:$0x3FAF] =	sst s9;
	s0 =	simm.s32 @!p0 $0x0  }
0x12: {  	s1 =	sld [smem:$0x3F95];
	s0 =	simm.s32 @p0 $0x1  }
0x13: {  	[smem:$0x3FB0] =	sst s0;
	s0 =	simm.s32 @!p1 $0x0  }
0x14: {  	s2 =	sld [smem:$0x3F94];
	s0 =	simm.s32 @p1 $0x1  }
0x15: {  	[smem:$0x3FB1] =	sst s0;
	s0 =	simm.s32 @!p2 $0x0  }
0x16: {  	s3 =	sld [smem:$0x3FDB];
	s0 =	simm.s32 @p2 $0x1  }
0x17: {  	s4 =	simm.s32 $0x1BF5;
	[smem:$0x3FB3] =	sst s0  }
0x18: {  	s0 =	sld [smem:$0x3F96];
	_ =	swait.ge [sflag:s4], $0x0  }
0x19: {  	s7 =	sld [smem:$0x3F97]  }
0x1a: {  	s8 =	sadd.s32 $0xFFFFE003, lr  }
0x1b: {  	s9 =	sadd.s32 $0xFFFFFEF7, lr;
	s5 =	simm.s32 $0xFFFFFFFF;
	p2 =	slt.u32 s8, $0xFFFFF086  }
0x1c: {  	p1 =	slt.u32 s9, $0xF7A;
	s5 =	simm.s32 @!p2 $0x0  }
0x1d: {  	s5 =	simm.s32 @p1 $0x1;
	p0 =	seq.s32 s7, s2  }
0x1e: {  	s7 =	smul.u32 @!p0 $0xF7A, s2;
	p2 =	seq.s32 @!p0 s5, $0x0  }
0x1f: {  	s9 =	smul.u32 $0xF7A, s1;
	s8 =	simm.s32 @!p0 $0x1BF5;
	p2 =	por !p2, p0  }
0x20: {  	[sflag:s8] =	ssyncset.s32 @!p0 $0xFFFFF086;
	s6 =	sadd.s32 @!p0 s3, s7;
	s7 =	simm.s32 @!p0 $0x108  }
0x21: {  	s3 =	sadd.s32 s3, s9;
	s6 =	sadd.s32 @!p0 $0x88, s6;
	s7 =	simm.s32 @p2 $0x1082  }
0x22: {  	[simem:s7], [sflag:s8] =	dma.local @!p0 [hbm:s6], $0xF7A  }
0x23: {  	s9 =	sor.u32 $0xD0000000, s2;
	s6 =	simm.s32 $0x108;
	_ =	swait.ge @!p0 [sflag:s8], $0x0  }
0x24: {  	s3 =	sadd.s32 $0x88, s3;
	s6 =	simm.s32 @!p1 $0x1082;
	[sflag:s4] =	ssyncset.s32 $0xFFFFF086  }
0x25: {  	[simem:s6], [sflag:s4] =	dma.local [hbm:s3], $0xF7A  }
0x26: {  	[smem:$0x3F97] =	sst s1;
	(tag) =	ssettag s2;
	_ =	strace s9  }
0x27: {  	s1 =	sld [smem:$0x3FA7]  }
0x28: {  	s2 =	sld [smem:$0x3FA8]  }
0x29: {  	s4 =	sld [smem:$0x3FAA]  }
0x2a: {  	p0 =	seq.s32 s5, $0x0;
	s5 =	sld [smem:$0x3FAB]  }
0x2b: {  	s6 =	sld [smem:$0x3FAC]  }
0x2c: {  	s7 =	sld [smem:$0x3FAD]  }
0x2d: {  	s3 =	simm.s32 $0x108;
	s8 =	sld [smem:$0x3FAE]  }
0x2e: {  	s3 =	simm.s32 @!p0 $0x1082;
	s9 =	sld [smem:$0x3FAF]  }
0x2f: {  	lr =	sadd.s32 s0, s3;
	s0 =	sld [smem:$0x3FA6]  }
0x30: {  	s3 =	sld [smem:$0x3FA9]  }
0x31: {  	[smem:$0x3FB2] =	sst s10  }
0x32: {  	s10 =	sld [smem:$0x3FB0];
	_ =	sdelay $0x3  }
0x33: {  	p0 =	seq.s32 s10, $0x1;
	s10 =	sld [smem:$0x3FB2];
	_ =	sdelay $0x3  }
0x34: {  	[smem:$0x3FB2] =	sst s10  }
0x35: {  	s10 =	sld [smem:$0x3FB1];
	_ =	sdelay $0x3  }
0x36: {  	p1 =	seq.s32 s10, $0x1;
	s10 =	sld [smem:$0x3FB2];
	_ =	sdelay $0x3  }
0x37: {  	[smem:$0x3FB2] =	sst s10  }
0x38: {  	s10 =	sld [smem:$0x3FB3]  }
0x39: {  	_ = 	snop;
	(pc) =	sbr.ind lr, $3  }
0x3a: {  	_ = 	snop  }
0x3b: {  	_ = 	snop  }
0x3c: {  	p2 =	seq.s32 s10, $0x1;
	s10 =	sld [smem:$0x3FB2]  }
0x3d: {  	_ =	shalt  }
0x3e: {  	_ =	shalt  }
0x3f: {  	_ =	shalt  }
0x40: {  	_ =	shalt  }
0x41: {  	_ =	shalt  }
0x42: {  	_ =	shalt  }
0x43: {  	_ =	shalt  }
0x44: {  	_ =	shalt  }
0x45: {  	_ =	shalt  }
0x46: {  	_ =	shalt  }
0x47: {  	_ =	shalt  }
0x48: {  	_ =	shalt  }
0x49: {  	_ =	shalt  }
0x4a: {  	_ =	shalt  }
0x4b: {  	_ =	shalt  }
0x4c: {  	_ =	shalt  }
0x4d: {  	_ =	shalt  }
0x4e: {  	_ =	shalt  }
0x4f: {  	_ =	shalt  }
0x50: {  	_ =	shalt  }
0x51: {  	_ =	shalt  }
0x52: {  	_ =	shalt  }
0x53: {  	_ =	shalt  }
0x54: {  	_ =	shalt  }
0x55: {  	_ =	shalt  }
0x56: {  	_ =	shalt  }
0x57: {  	_ =	shalt  }
0x58: {  	_ =	shalt  }
0x59: {  	_ =	shalt  }
0x5a: {  	_ =	shalt  }
0x5b: {  	_ =	shalt  }
0x5c: {  	_ =	shalt  }
0x5d: {  	_ =	shalt  }
0x5e: {  	_ =	shalt  }
0x5f: {  	_ =	shalt  }
0x60: {  	_ =	shalt  }
0x61: {  	_ =	shalt  }
0x62: {  	_ =	shalt  }
0x63: {  	_ =	shalt  }
0x64: {  	_ =	shalt  }
0x65: {  	_ =	shalt  }
0x66: {  	_ =	shalt  }
0x67: {  	_ =	shalt  }
0x68: {  	_ =	shalt  }
0x69: {  	_ =	shalt  }
0x6a: {  	_ =	shalt  }
0x6b: {  	_ =	shalt  }
0x6c: {  	_ =	shalt  }
0x6d: {  	_ =	shalt  }
0x6e: {  	_ =	shalt  }
0x6f: {  	_ =	shalt  }
0x70: {  	_ =	shalt  }
0x71: {  	_ =	shalt  }
0x72: {  	_ =	shalt  }
0x73: {  	_ =	shalt  }
0x74: {  	_ =	shalt  }
0x75: {  	_ =	shalt  }
0x76: {  	_ =	shalt  }
0x77: {  	_ =	shalt  }
0x78: {  	_ =	shalt  }
0x79: {  	_ =	shalt  }
0x7a: {  	_ =	shalt  }
0x7b: {  	_ =	shalt  }
0x7c: {  	_ =	shalt  }
0x7d: {  	_ =	shalt  }
0x7e: {  	_ =	shalt  }
0x7f: {  	_ =	shalt  }
0x80: {  	_ =	shalt  }
0x81: {  	_ =	shalt  }
0x82: {  	_ =	shalt  }
0x83: {  	_ =	shalt  }
0x84: {  	_ =	shalt  }
0x85: {  	_ =	shalt  }
0x86: {  	_ =	shalt  }
0x87: {  	_ =	shalt  }
.Lfunc_end0:
.L_simem_size_0:
called_computation_lowered:
.L_overlay_start_0:
0x88: {  	s2 =	sld [smem:$0x3FD9]  }
0x89: {  	s3 =	sld [smem:$0x3FFE];
	_ =	sdelay $0x1  }
0x8a: {  	s1 =	srdreg.scid  }
0x8b: {  	s0 =	sand.u32 $0x1, s1  }
0x8c: {  	s17 =	sshll.u32 s0, $0xA;
	s2 =	sadd.s32 s3, s2  }
0x8d: {  	s2 =	sadd.s32 s2, s17  }
0x8e: {  	[smem:$0x3FBE] =	sst s2  }
0x8f: {  	_ = 	snop  }
0x90: {  	(tm) =	ssettm $0x1  }
0x91: {  	s18 =	sld [smem:$0x3FFB];
	_ =	sdelay $0x3  }
0x92: {  	_ =	strace s18  }
0x93: {  	s2 =	sld [smem:$0x3FFC];
	_ =	sdelay $0x3  }
0x94: {  	_ =	strace s2  }
0x95: {  	s2 =	sld [smem:$0x3FFD];
	_ =	sdelay $0x3  }
0x96: {  	_ =	strace s2  }
0x97: {  	_ =	strace $0x8FFFFFFF  }
0x98: {  	s19 =	sld [smem:$0x3FDB];
	_ =	sdelay $0x1  }
0x99: {  	s20 =	simm.s32 $_scs_section_size  }
0x9a: {  	s4 =	simm.s32 $_size__tile_overlayer_lowered;
	s5 =	simm.s32 $_tile_overlayer_lowered  }
0x9b: {  	s6 =	simm.s32 $0x1BFF;
	s21 =	sshll.u32 s5, $0x1;
	s3 =	sadd.s32 s20, s19  }
0x9c: {  	s22 =	simm.s32 $0x0;
	s4 =	sshll.u32 s4, $0x1;
	s5 =	sadd.s32 s21, s3  }
0x9d: {  	[timem:s22], [sflag:s6] =	dma.local [hbm:s5], s4  }
0x9e: {  	_ =	swait.ge [sflag:s6], s4  }
0x9f: {  	s4 =	ssub.s32 $0x0, s4;
	[sflag:s6] =	ssyncset.done $0x0  }
0xa0: {  	[sflag:s6] =	ssyncadd.s32 s4;
	_ =	sdelay $0x1  }
0xa1: {  	s23 =	simm.s32 $0x1B8B  }
0xa2: {  	_ =	swait.ge [sflag:s23], $0x1  }
0xa3: {  	[sflag:s23] =	ssyncset.done $0x0  }
0xa4: {  	[sflag:s23] =	ssyncadd.s32 $0xFFFFFFFF  }
0xa5: {  	s4 =	sld [smem:$0x0]  }
0xa6: {  	s5 =	sand.u32 $0xFFFFFFFE, s1  }
0xa7: {  	p0 =	sne.s32 s1, s5  }
0xa8: {  	s5 =	sshll.u32 @p0 s5, $0xE  }
0xa9: {  	s5 =	sadd.s32 @p0 $0x11B8D, s5;
	s6 =	sshll.u32 @p0 s4, $0x11  }
0xaa: {  	s5 =	sor.u32 @p0 s6, s5  }
0xab: {  	[sflag:s5] =	ssyncadd.remote.s32 @p0 $0x1;
	_ =	sdelay $0x1  }
0xac: {  	s5 =	simm.s32 @p0 $0x1B8D  }
0xad: {  	_ =	swait.eq @p0 [sflag:s5], $0x1  }
0xae: {  	[sflag:s5] =	ssyncadd.s32 @p0 $0xFFFFFFFF  }
0xaf: {  	s6 =	sshll.u32 @!p0 s1, $0xE  }
0xb0: {  	s6 =	sor.u32 @!p0 $0x4000, s6;
	s5 =	simm.s32 @!p0 $0x1B8D  }
0xb1: {  	s4 =	sshll.u32 @!p0 s4, $0x11;
	s6 =	sadd.s32 @!p0 $0x11B8D, s6;
	_ =	swait.eq @!p0 [sflag:s5], $0x1  }
0xb2: {  	s4 =	sor.u32 @!p0 s4, s6;
	[sflag:s5] =	ssyncadd.s32 @!p0 $0xFFFFFFFF  }
0xb3: {  	s25 =	simm.s32 $0x1B8E;
	s24 =	sld [smem:$0x3FFE];
	[sflag:s4] =	ssyncadd.remote.s32 @!p0 $0x1  }
0xb4: {  	s26 =	simm.s32 $execute0_lowered;
	[smem:$0x3FD2] =	sst s25  }
0xb5: {  	s5 =	sshll.u32 s26, $0x1;
	_ =	strace $0x80000049;
	[dreg:$0x1] =	wrdreg $0xFFFFFFFF  }
0xb6: {  	s28 =	simm.s32 $_size_execute0_lowered;
	s3 =	sadd.s32 s3, s5;
	[dreg:$0x0] =	wrdreg $0x0  }
0xb7: {  	s5 =	sshll.u32 s28, $0x1;
	[dreg:$0x2] =	wrdreg s3  }
0xb8: {  	[dreg:$0x3] =	wrdreg s5  }
0xb9: {  	[dreg:$0x4] =	wrdreg $0xC0  }
0xba: {  	_ =	task [dreg:s22], $0x5FFFF  }
0xbb: {  	[dreg:$0x1] =	wrdreg $0xFFFFFFFF  }
0xbc: {  	[dreg:$0x0] =	wrdreg $0x60  }
0xbd: {  	[dreg:$0x2] =	wrdreg s24  }
0xbe: {  	[dreg:$0x3] =	wrdreg $0x95800  }
0xbf: {  	[dreg:$0x4] =	wrdreg $0x9  }
0xc0: {  	_ =	task.clear_ibuf [dreg:s22], $0x5FFFF;
	_ =	strace $0x90000049  }
0xc1: {  	s29 =	simm.s32 $0x9;
	_ =	strace $0x8000004B  }
0xc2: {  	_ =	swait.ge [sflag:s29], $0x1  }
0xc3: {  	[sflag:s29] =	ssyncadd.s32 $0xFFFFFFFF  }
0xc4: {  	_ =	strace $0x9000004B  }
0xc5: {  	_ =	sfence  }
0xc6: {  	s30 =	sld [smem:$0x0];
	_ =	sdelay $0x2  }
0xc7: {  	s31 =	sshll.u32 s1, $0xD;
	s1 =	sshrl.u32 s1, $0x2  }
0xc8: {  	s4 =	sand.u32 $0x4000, s31;
	s1 =	sadd.s32 s1, s30  }
0xc9: {  	s0 =	sor.u32 s4, s0;
	s1 =	sshll.u32 s1, $0x11  }
0xca: {  	s0 =	sor.u32 s1, s0  }
0xcb: {  	s0 =	sadd.s32 $0x8F2B, s0  }
0xcc: {  	[sflag:s0] =	ssyncadd.remote.s32 $0x1  }
0xcd: {  	_ =	sfence.sel $0xFFFF  }
0xce: {  	[dreg:$0x0] =	wrdreg $0xFFFFFFFF;
	(pc) =	sbr.abs _section_cstart, $3  }
0xcf: {  	[dreg:$0x1] =	wrdreg $0xFFFFFFFF  }
0xd0: {  	_ =	task.clear_ibuf [dreg:s22], $0x2FFFF;
	_ =	strace $0x9FFFFFFF  }
0xd1: {  	(tm) =	ssettm $0x7FFFFFFF  }
tec
execute0_lowered:
.L_overlay_start_1:
0x0: {  	(tag) =	ssettag $0x1  }
0x1: {  	s0 =	srdreg.scid;
	s3 =	rddreg [dreg:$0x0]  }
0x2: {  	s1 =	rddreg [dreg:$0x1];
	s2 =	simm.s32 $0x0;
	s6 =	stileid.u32  }
0x3: {  	s4 =	sand.u32 $0x1, s0;
	s0 =	rddreg [dreg:$0x2];
	s7 =	sshll.u32 s6, $0xC  }
0x4: {  	[smem:$0x7FF] =	sst s2;
	s30 =	sshll.u32 s6, $0x3;
	p0 =	sne.s32 s6, $0x0  }
0x5: {  	s6 =	simm.s32 $0x1;
	s5 =	smul.u32 $0x1388, s4;
	s4 =	ssub.s32 $0x2, s4  }
0x6: {  	s7 =	sadd.s32 s7, s3;
	_ =	strace $0x8000004A;
	s29 =	sshrl.u32 s4, $0x1  }
0x7: {  	s31 =	sadd.s32 $0x1388, s30;
	s8 =	sshrl.u32 s5, $0x3;
	s9 =	ssub.s32 s4, s29  }
0x8: {  	v0 =	vmov s5;
	s8 =	sadd.s32 s8, s3;
	s3 =	sadd.s32 $0x16400, s7;
	s5 =	smax.u32 s9, $0x1  }
0x9: {  	v2 =	vimm.f32 $0.0e+00;
	v3 =	vimm.f32 $1.000000000e+00;
	v1 =	vmov s31;
	s7 =	simm.s32 $0x50;
	s4 =	sadd.s32 $0x26400, s8;
	s8 =	simm.s32 $0x8000  }
.LBB2_1:
0xa: {  	s9 =	simm.s32 $0x40;
	s10 =	simm.s32 $0x0  }
.LBB2_2:
0xb: {  	p1 =	sne.s32 s9, $0x53C0;
	[tilespmem:s10+$0x8080] =	vst v2;
	s10 =	smov.u32 s9;
	s9 =	sadd.s32 $0x40, s9  }
.Ltmp0:
0xc: {  	(pc) =	sbr.rel @p1 .LBB2_2-.Ltmp0, $2  }
0xd: {  	_ =	sdelay $0x2  }
0xe: {  	s10 =	sshra.s32 s10, $0x2  }
0xf: {  	[tilespmem:s10+$0x8080] =	vst v2  }
0x10: {  	[tilespmem:$0x8000] =	vst v3  }
0x11: {  	[tilespmem:$0x8010] =	vst v3  }
0x12: {  	[tilespmem:$0x8020] =	vst v3  }
0x13: {  	[tilespmem:$0x8030] =	vst v3  }
0x14: {  	s9 =	simm.s32 @!p0 $0x8080;
	[tilespmem:$0x8040] =	vst v3  }
0x15: {  	[spmem:s1] =	stream.linear.scatter @!p0 [tilespmem:s9], [sflag:$0x1], $0x1500, $0x38;
	[tilespmem:$0x96D0] =	vst v63  }
0x16: {  	s9 =	simm.s32 @!p0 $0x1  }
0x17: {  	_ =	swait.ge @!p0 [sflag:s9], $0x1500  }
0x18: {  	[sflag:s9] =	ssyncset.done @!p0 $0x0  }
0x19: {  	s31 =	simm.s32 $0x0;
	[sflag:s9] =	ssyncadd.s32 @!p0 $0xFFFFEB00  }
0x1a: {  	[tilespmem:s31], [sflag:$0x1] =	stream.linear.gather [hbm4b:s3+s31], $0x7D00, $0x38;
	[tilespmem:$0x96D0] =	vst v63  }
0x1b: {  	_ =	swait.ge [sflag:s6], $0x7D00  }
0x1c: {  	[sflag:s6] =	ssyncset.done $0x0  }
0x1d: {  	s10 =	simm.s32 $0x0;
	[sflag:s6] =	ssyncadd.s32 $0xFFFF8300  }
0x1e: {  	v4 =	vld [tilespmem:s10+$0x30]  }
0x1f: {  	v6 =	vld [tilespmem:s10+$0x20]  }
0x20: {  	v5 =	vld [tilespmem:s10+$0x0];
	_ =	sdelay $0x2  }
0x21: {  	v8 =	vld [tilespmem:s10+$0x10];
	v7 =	vsub.s32 v4, v0;
	v4 =	vand.u32 $0x7, v4  }
0x22: {  	v10 =	vand.u32 $0x7, v6;
	vm0 =	vlt.u32 v7, $0x1388;
	v4 =	vor.u32 v1, v4  }
0x23: {  	v4 =	vsel vm0, v7, v4;
	v7 =	vsub.s32 v5, v0;
	v5 =	vand.u32 $0x7, v5  }
0x24: {  	s9 =	simm.s32 $0x80;
	v9 =	vld [tilespmem:s10+$0x40];
	[tilespmem:s10+$0x30] =	vst v4;
	vm13 =	vlt.u32 v7, $0x1388;
	v4 =	vor.u32 v1, v5;
	v5 =	vsub.s32 v6, v0  }
0x25: {  	v6 =	vld [tilespmem:s9+$0x30];
	v4 =	vsel vm13, v7, v4;
	vm14 =	vlt.u32 v5, $0x1388;
	v7 =	vor.u32 v1, v10  }
0x26: {  	v10 =	vsub.s32 v8, v0;
	[tilespmem:s10+$0x0] =	vst v4;
	v4 =	vand.u32 $0x7, v8;
	v7 =	vsel vm14, v5, v7  }
0x27: {  	vm15 =	vlt.u32 v10, $0x1388;
	v5 =	vld [tilespmem:s9+$0x0];
	v8 =	vor.u32 v1, v4;
	[tilespmem:s10+$0x20] =	vst v7  }
0x28: {  	v4 =	vld [tilespmem:s9+$0x20];
	v7 =	vsel vm15, v10, v8  }
0x29: {  	s11 =	simm.s32 $0x400;
	v8 =	vand.u32 $0x7, v9;
	[tilespmem:s10+$0x10] =	vst v7;
	v7 =	vsub.s32 v9, v0  }
.LBB2_4:
0x2a: {  	s12 =	sshra.s32 s11, $0x2;
	p1 =	sne.s32 s11, $0x1F200;
	s11 =	sadd.s32 $0x200, s11;
	v9 =	vsub.s32 v6, v0;
	v6 =	vand.u32 $0x7, v6;
	v8 =	vor.u32 v1, v8  }
0x2b: {  	vm1 =	vlt.u32 v7, $0x1388;
	v10 =	vld [tilespmem:s9+$0x10];
	vm0 =	vlt.u32 v9, $0x1388;
	v6 =	vor.u32 v1, v6  }
0x2c: {  	v7 =	vsel vm1, v7, v8;
	v11 =	vsub.s32 v5, v0;
	v6 =	vsel vm0, v9, v6  }
0x2d: {  	v5 =	vand.u32 $0x7, v5;
	vm0 =	vlt.u32 v11, $0x1388;
	v8 =	vsub.s32 v4, v0;
	[tilespmem:s10+$0x40] =	vst v7;
	s10 =	smov.u32 s9;
	s9 =	smov.u32 s12  }
0x2e: {  	v5 =	vor.u32 v1, v5;
	v4 =	vand.u32 $0x7, v4;
	vm1 =	vlt.u32 v8, $0x1388;
	[tilespmem:s10+$0x30] =	vst v6;
	v9 =	vld [tilespmem:s10+$0x40]  }
.Ltmp1:
0x2f: {  	v5 =	vsel vm0, v11, v5;
	v4 =	vor.u32 v1, v4;
	v6 =	vld [tilespmem:s9+$0x30];
	(pc) =	sbr.rel @p1 .LBB2_4-.Ltmp1, $4  }
0x30: {  	v4 =	vsel vm1, v8, v4;
	[tilespmem:s10+$0x0] =	vst v5;
	v7 =	vsub.s32 v10, v0;
	v10 =	vand.u32 $0x7, v10  }
0x31: {  	v5 =	vld [tilespmem:s9+$0x0];
	vm0 =	vlt.u32 v7, $0x1388;
	v8 =	vor.u32 v1, v10;
	[tilespmem:s10+$0x20] =	vst v4  }
0x32: {  	v4 =	vld [tilespmem:s9+$0x20];
	v7 =	vsel vm0, v7, v8  }
0x33: {  	[tilespmem:s10+$0x10] =	vst v7;
	v7 =	vsub.s32 v9, v0;
	v8 =	vand.u32 $0x7, v9  }
0x34: {  	v8 =	vor.u32 v1, v8;
	vm0 =	vlt.u32 v7, $0x1388  }
0x35: {  	v9 =	vsub.s32 v6, v0;
	v58 =	vand.u32 $0x7, v6;
	v10 =	vld [tilespmem:s9+$0x10];
	v7 =	vsel vm0, v7, v8  }
0x36: {  	vm1 =	vlt.u32 v9, $0x1388;
	v6 =	vor.u32 v1, v58;
	[tilespmem:s10+$0x40] =	vst v7  }
0x37: {  	v6 =	vsel vm1, v9, v6;
	v59 =	vsub.s32 v5, v0;
	v7 =	vld [tilespmem:s9+$0x40]  }
0x38: {  	v5 =	vand.u32 $0x7, v5;
	vm12 =	vlt.u32 v59, $0x1388;
	v60 =	vsub.s32 v4, v0  }
0x39: {  	v5 =	vor.u32 v1, v5;
	v4 =	vand.u32 $0x7, v4;
	vm13 =	vlt.u32 v60, $0x1388  }
0x3a: {  	v5 =	vsel vm12, v59, v5;
	v4 =	vor.u32 v1, v4;
	v61 =	vsub.s32 v10, v0  }
0x3b: {  	[tilespmem:s9+$0x30] =	vst v6;
	v62 =	vand.u32 $0x7, v10;
	v4 =	vsel vm13, v60, v4;
	vm14 =	vlt.u32 v61, $0x1388  }
0x3c: {  	[tilespmem:s9+$0x0] =	vst v5;
	v5 =	vor.u32 v1, v62;
	v63 =	vsub.s32 v7, v0;
	v7 =	vand.u32 $0x7, v7  }
0x3d: {  	[tilespmem:s9+$0x20] =	vst v4;
	v4 =	vsel vm14, v61, v5;
	v5 =	vor.u32 v1, v7;
	vm15 =	vlt.u32 v63, $0x1388  }
0x3e: {  	[tilespmem:s9+$0x10] =	vst v4;
	v4 =	vsel vm15, v63, v5  }
0x3f: {  	[tilespmem:s9+$0x40] =	vst v4  }
0x40: {  	s31 =	simm.s32 $0x0;
	[bflag:$0x0] =	sbarrier.arrive $0xFFFF  }
0x41: {  	[spmem:s1] =	stream.indirect.scatter.add.f32 [tilespmem:s8], [sflag:$0x1], $0x1, s31, s7, $0xb8;
	[tilespmem:$0x96D0] =	vst v63  }
0x42: {  	_ =	swait.ge [sflag:s6], $0x50  }
0x43: {  	s9 =	simm.s32 $0x200;
	[sflag:s6] =	ssyncset.done $0x0  }
.LBB2_6:
0x44: {  	s10 =	sshra.s32 s9, $0x2;
	[sflag:s6] =	ssyncadd.s32 $0xFFFFFFB0;
	p1 =	sne.s32 s9, $0x1F200  }
0x45: {  	[spmem:s1] =	stream.indirect.scatter.add.f32 [tilespmem:s8], [sflag:$0x1], $0x1, s10, s7, $0xb8;
	[tilespmem:$0x96D0] =	vst v63  }
.Ltmp2:
0x46: {  	_ = 	snop;
	(pc) =	sbr.rel @p1 .LBB2_6-.Ltmp2, $4  }
0x47: {  	_ = 	snop  }
0x48: {  	s9 =	sadd.s32 $0x200, s9  }
0x49: {  	_ =	swait.ge [sflag:s6], $0x50  }
0x4a: {  	[sflag:s6] =	ssyncset.done $0x0  }
0x4b: {  	[sflag:s6] =	ssyncadd.s32 $0xFFFFFFB0  }
0x4c: {  	s9 =	simm.s32 @!p0 $0x8080;
	s10 =	simm.s32 @!p0 $0x1;
	[bflag:$0x0] =	sbarrier.arrive $0xFFFF  }
0x4d: {  	[tilespmem:s9], [sflag:$0x1] =	stream.linear.gather @!p0 [spmem:s1], $0x1388, $0x38;
	[tilespmem:$0x96D0] =	vst v63  }
0x4e: {  	s2 =	sadd.s32 $0x1, s2;
	_ =	swait.ge @!p0 [sflag:s10], $0x1388  }
0x4f: {  	p1 =	sne.s32 s2, s5;
	[sflag:s10] =	ssyncset.done @!p0 $0x0  }
.Ltmp3:
0x50: {  	s11 =	simm.s32 @!p0 $0x0;
	[sflag:s10] =	ssyncadd.s32 @!p0 $0xFFFFEC78;
	(pc) =	sbr.rel @p1 .LBB2_1-.Ltmp3, $4  }
0x51: {  	[hbm4b:s4+s11] =	stream.linear.scatter @!p0 [tilespmem:s9], [sflag:$0x1], $0x1388, $0x38;
	[tilespmem:$0x96D0] =	vst v63  }
0x52: {  	_ =	swait.ge @!p0 [sflag:s10], $0x1388  }
0x53: {  	[sflag:s10] =	ssyncset.done @!p0 $0x0  }
0x54: {  	[sflag:s10] =	ssyncadd.s32 @!p0 $0xFFFFEC78  }
0x55: {  	_ =	sfence.sel $0x180000  }
0x56: {  	[bflag:$0x0] =	sbarrier.arrive $0xFFFF  }
0x57: {  	_ =	strace $0x9000004A  }
0x58: {  	s0 =	sadd.s32 @!p0 $0x100000, s0;
	[bflag:$0x2] =	sbarrier.arrive $0xFFFF  }
0x59: {  	[sflag:s0] =	ssyncadd.tile.s32 @!p0 $0x1;
	_ =	shalt  }
.Lfunc_end2:
_tile_overlayer_lowered:
.L_overlay_start_2:
0x5a: {  	(tag) =	ssettag $0x2  }
0x5b: {  	s0 =	rddreg [dreg:$0x0];
	s2 =	stileid.u32  }
0x5c: {  	s1 =	rddreg [dreg:$0x1];
	p0 =	sne.s32 s2, $0x0  }
0x5d: {  	s3 =	rddreg [dreg:$0x2];
	[bflag:$0x3] =	sbarrier.arrive $0xFFFF;
	s2 =	simm.s32 @!p0 $0x1C01  }
0x5e: {  	[timem:s3], [sflag:s2] =	dma.local @!p0 [hbm:s0], s1  }
0x5f: {  	s0 =	simm.s32 @!p0 $0x1  }
0x60: {  	_ =	swait.ge @!p0 [sflag:s0], s1  }
0x61: {  	s1 =	ssub.s32 @!p0 $0x0, s1;
	[sflag:s0] =	ssyncset.done @!p0 $0x0  }
0x62: {  	[sflag:s0] =	ssyncadd.s32 @!p0 s1  }
0x63: {  	[bflag:$0x3] =	sbarrier.arrive $0xFFFF  }
0x64: {  	_ =	shalt  }

</sc_bundles>
